<compile_context>
chip_gen: v7x
topology: tpu7x:2x2x1
jax: 0.10.2.dev20260603
libtpu: 0.0.44.dev20260713+nightly
codegen_flags: <defaults>
</compile_context>

<pallas_src>
import dataclasses

import jax
import jax.numpy as jnp
from jax import lax
from jax.experimental import pallas as pl
from jax.experimental.pallas import tpu as pltpu
from jax.experimental.pallas import tpu_sc as plsc

NUM_CATEGORIES = 1000
ROWS_PER_CHUNK = 40
N_SUBCORES = 32


def _sc_onehot(vt):
    nfeat, batch = vt.shape
    n_rows = nfeat * NUM_CATEGORIES
    n_chunks = n_rows // ROWS_PER_CHUNK
    chunks_per_feat = NUM_CATEGORIES // ROWS_PER_CHUNK
    n_iters = n_chunks // (2 * N_SUBCORES) + 2

    mesh = plsc.VectorSubcoreMesh(core_axis_name="c", subcore_axis_name="s")

    cp = pltpu.CompilerParams()
    if "needs_layout_passes" in pltpu.CompilerParams.__dataclass_fields__:
        cp = dataclasses.replace(cp, needs_layout_passes=False)

    @pl.kernel(
        compiler_params=cp,
        out_type=jax.ShapeDtypeStruct((nfeat, NUM_CATEGORIES, batch), jnp.float32),
        mesh=mesh,
        scratch_types=[
            pltpu.VMEM((nfeat, batch), jnp.int32),
            pltpu.VMEM((ROWS_PER_CHUNK, batch), jnp.float32),
            pltpu.VMEM((ROWS_PER_CHUNK, batch), jnp.float32),
            pltpu.SemaphoreType.DMA,
            pltpu.SemaphoreType.DMA,
        ],
    )
    def body(vt_ref, out_ref, vbuf, buf0, buf1, sem0, sem1):
        u = lax.axis_index("c") * 16 + lax.axis_index("s")

        pltpu.sync_copy(vt_ref, vbuf)

        @pl.loop(0, ROWS_PER_CHUNK)
        def _(r):
            @pl.loop(0, batch // 16)
            def _(j):
                z = jnp.zeros((16,), jnp.float32)
                buf0[r, pl.ds(j * 16, 16)] = z
                buf1[r, pl.ds(j * 16, 16)] = z

        def scan_scatter(buf, k, value):
            f = k // chunks_per_feat
            c0 = (k % chunks_per_feat) * ROWS_PER_CHUNK
            val = jnp.full((16,), value, jnp.float32)

            @pl.loop(0, batch // 16)
            def _(j):
                v = vbuf[f, pl.ds(j * 16, 16)]
                rel = v - c0
                mask = (rel >= 0) & (rel < ROWS_PER_CHUNK)
                relc = jnp.clip(rel, 0, ROWS_PER_CHUNK - 1)
                b = lax.iota(jnp.int32, 16) + j * 16
                plsc.store_scatter(buf, [relc, b], val, mask=mask)

        def dma(buf, sem, k):
            f = k // chunks_per_feat
            c0 = (k % chunks_per_feat) * ROWS_PER_CHUNK
            return pltpu.make_async_copy(
                buf, out_ref.at[f, pl.ds(c0, ROWS_PER_CHUNK)], sem
            )

        @pl.loop(0, n_iters)
        def _(t):
            k0 = u + 2 * N_SUBCORES * t
            k0p = k0 - 2 * N_SUBCORES

            @pl.when((t >= 1) & (k0p < n_chunks))
            def _():
                dma(buf0, sem0, k0p).wait()
                scan_scatter(buf0, k0p, 0.0)

            @pl.when(k0 < n_chunks)
            def _():
                scan_scatter(buf0, k0, 1.0)
                dma(buf0, sem0, k0).start()

            k1 = k0 + N_SUBCORES
            k1p = k1 - 2 * N_SUBCORES

            @pl.when((t >= 1) & (k1p < n_chunks))
            def _():
                dma(buf1, sem1, k1p).wait()
                scan_scatter(buf1, k1p, 0.0)

            @pl.when(k1 < n_chunks)
            def _():
                scan_scatter(buf1, k1, 1.0)
                dma(buf1, sem1, k1).start()

    return body(vt)


def kernel(inputs):
    batch, nfeat = inputs.shape
    vt = inputs.astype(jnp.int32).T
    out_t = _sc_onehot(vt)
    return jnp.transpose(out_t, (2, 0, 1))

# --- scband reference (transcript-rebuilt; emitter-appended) ---
"""Pipeline reference for scband-categorical-input-19396072309385 (READ-ONLY COPY).

The authoritative reference and input builder live on the scoring server;
editing this copy changes nothing except your own understanding.
"""

import jax, jax.numpy as jnp
import numpy as np

NUM_CATEGORIES = 1000

def setup_inputs(seed: int = 0) -> dict:
    key = jax.random.key(seed)
    inputs = jax.random.randint(key, (1024, 26), 0, NUM_CATEGORIES, dtype=jnp.int64)
    return {"inputs": inputs}

def reference(inputs) -> jnp.ndarray:
    # Faithful translation of tf.one_hot(inputs, num_categories, on=1.0, off=0.0).
    # The original layer returns {'nullary': one_hot}; we return the tensor itself.
    facts_nullary = jax.nn.one_hot(inputs, NUM_CATEGORIES, dtype=jnp.float32)
    return facts_nullary

if __name__ == "__main__":
    import jax
    _d = setup_inputs()
    print(jax.jit(kernel)(*tuple(_d.values())))

</pallas_src>

<mosaic_0001>
#map = affine_map<(d0, d1) -> (0, 0)>
#map1 = affine_map<(d0, d1) -> (0, 0, 0)>
module attributes {stable_mosaic.version = 14 : i64} {
  func.func @body(%arg0: i32, %arg1: i32, %arg2: memref<26x1024xi32, #tpu.memory_space<hbm>>, %arg3: memref<26x1000x1024xf32, #tpu.memory_space<hbm>>, %arg4: memref<26x1024xi32, #tpu.memory_space<vmem>>, %arg5: memref<40x1024xf32, #tpu.memory_space<vmem>>, %arg6: memref<40x1024xf32, #tpu.memory_space<vmem>>, %arg7: memref<!tpu.dma_semaphore, #tpu.memory_space<semaphore_mem>>, %arg8: memref<!tpu.dma_semaphore, #tpu.memory_space<semaphore_mem>>) attributes {dimension_semantics = [#tpu.dimension_semantics<core_parallel>, #tpu.dimension_semantics<subcore_parallel>], iteration_bounds = array<i64: 2, 16>, scalar_prefetch = 0 : i64, scratch_operands = 5 : i64, tpu.core_type = #tpu.core_type<sc_vector_subcore>, window_params = [{transform_indices = #map}, {transform_indices = #map1}]} {
    %mul3A = arith.constant 16 : i32
    %mul3A_0 = arith.muli %arg0, %mul3A : i32
    %add3A = arith.addi %mul3A_0, %arg1 : i32
    "tpu.region"() ({
      %run_scoped3A = tpu.sem_alloc : memref<!tpu.dma_semaphore, #tpu.memory_space<semaphore_mem>>
      tpu.enqueue_dma source(%arg2 : memref<26x1024xi32, #tpu.memory_space<hbm>>) target(%arg4 : memref<26x1024xi32, #tpu.memory_space<vmem>>) target_semaphore(%run_scoped3A : memref<!tpu.dma_semaphore, #tpu.memory_space<semaphore_mem>>)
      tpu.wait_dma2 semaphore(%run_scoped3A : memref<!tpu.dma_semaphore, #tpu.memory_space<semaphore_mem>>) src(%arg2 : memref<26x1024xi32, #tpu.memory_space<hbm>>) dst(%arg4 : memref<26x1024xi32, #tpu.memory_space<vmem>>)
      tpu.yield
    }) : () -> ()
    %scan3A = arith.constant 0 : i32
    %scan3A_1 = arith.constant 40 : i32
    %scan3A_2 = arith.addi %scan3A, %scan3A_1 : i32
    %scan3A_3 = arith.constant 1 : i32
    scf.for %scan3A_10 = %scan3A to %scan3A_2 step %scan3A_3  : i32 {
      %mul3A_11 = arith.constant 1 : i32
      %mul3A_12 = arith.muli %scan3A_10, %mul3A_11 : i32
      %add3A_13 = arith.constant 0 : i32
      %add3A_14 = arith.addi %add3A_13, %mul3A_12 : i32
      %scan3A_15 = arith.constant 0 : i32
      %scan3A_16 = arith.constant 64 : i32
      %scan3A_17 = arith.addi %scan3A_15, %scan3A_16 : i32
      %scan3A_18 = arith.constant 1 : i32
      scf.for %scan3A_20 = %scan3A_15 to %scan3A_17 step %scan3A_18  : i32 {
        %mul3A_21 = arith.constant 1 : i32
        %mul3A_22 = arith.muli %scan3A_20, %mul3A_21 : i32
        %add3A_23 = arith.constant 0 : i32
        %add3A_24 = arith.addi %add3A_23, %mul3A_22 : i32
        %broadcast_in_dim3A = arith.constant 0.000000e+00 : f32
        %broadcast_in_dim3A_25 = vector.broadcast %broadcast_in_dim3A : f32 to vector<16xf32>
        %mul3A_26 = arith.constant 16 : i32
        %mul3A_27 = arith.muli %add3A_24, %mul3A_26 : i32
        %swap3A = arith.index_cast %add3A_14 : i32 to index
        %swap3A_28 = arith.index_cast %mul3A_27 : i32 to index
        %swap3A_29 = tpu.vector_load %arg5[%swap3A, %swap3A_28] {strides = array<i32>} : memref<40x1024xf32, #tpu.memory_space<vmem>>, vector<16xf32>,
        tpu.vector_store %arg5[%swap3A, %swap3A_28], %broadcast_in_dim3A_25 {strides = array<i32>} : memref<40x1024xf32, #tpu.memory_space<vmem>>, vector<16xf32>,
        %mul3A_30 = arith.constant 16 : i32
        %mul3A_31 = arith.muli %add3A_24, %mul3A_30 : i32
        %swap3A_32 = arith.index_cast %add3A_14 : i32 to index
        %swap3A_33 = arith.index_cast %mul3A_31 : i32 to index
        %swap3A_34 = tpu.vector_load %arg6[%swap3A_32, %swap3A_33] {strides = array<i32>} : memref<40x1024xf32, #tpu.memory_space<vmem>>, vector<16xf32>,
        tpu.vector_store %arg6[%swap3A_32, %swap3A_33], %broadcast_in_dim3A_25 {strides = array<i32>} : memref<40x1024xf32, #tpu.memory_space<vmem>>, vector<16xf32>,
      }
      %scan3A_19 = arith.constant 64 : i32
    }
    %scan3A_4 = arith.constant 40 : i32
    %scan3A_5 = arith.constant 0 : i32
    %scan3A_6 = arith.constant 12 : i32
    %scan3A_7 = arith.addi %scan3A_5, %scan3A_6 : i32
    %scan3A_8 = arith.constant 1 : i32
    scf.for %scan3A_10 = %scan3A_5 to %scan3A_7 step %scan3A_8  : i32 {
      %mul3A_11 = arith.constant 1 : i32
      %mul3A_12 = arith.muli %scan3A_10, %mul3A_11 : i32
      %add3A_13 = arith.constant 0 : i32
      %add3A_14 = arith.addi %add3A_13, %mul3A_12 : i32
      %mul3A_15 = arith.constant 64 : i32
      %mul3A_16 = arith.muli %mul3A_15, %add3A_14 : i32
      %add3A_17 = arith.addi %add3A, %mul3A_16 : i32
      %sub3A = arith.constant 64 : i32
      %sub3A_18 = arith.subi %add3A_17, %sub3A : i32
      %ge3A = arith.constant 1 : i32
      %ge3A_19 = arith.cmpi sge, %add3A_14, %ge3A : i32
      %lt3A = arith.constant 650 : i32
      %lt3A_20 = arith.cmpi slt, %sub3A_18, %lt3A : i32
      %and3A = arith.andi %ge3A_19, %lt3A_20 : i1
      %convert_element_type3A = arith.extui %and3A : i1 to i32
      %cond3A = arith.constant 0 : i32
      %cond3A_21 = arith.cmpi ne, %convert_element_type3A, %cond3A : i32
      scf.if %cond3A_21 {
        %jit3A = arith.constant 25 : i32
        %div3A = arith.divsi %sub3A_18, %jit3A : i32
        %sign3A = arith.constant 0 : i32
        %sign3A_44 = arith.cmpi sgt, %sub3A_18, %sign3A : i32
        %sign3A_45 = arith.extui %sign3A_44 : i1 to i32
        %sign3A_46 = arith.constant 0 : i32
        %sign3A_47 = arith.cmpi slt, %sub3A_18, %sign3A_46 : i32
        %sign3A_48 = arith.extui %sign3A_47 : i1 to i32
        %sign3A_49 = arith.subi %sign3A_45, %sign3A_48 : i32
        %sign3A_50 = arith.constant 0 : i32
        %sign3A_51 = arith.cmpi sgt, %jit3A, %sign3A_50 : i32
        %sign3A_52 = arith.extui %sign3A_51 : i1 to i32
        %sign3A_53 = arith.constant 0 : i32
        %sign3A_54 = arith.cmpi slt, %jit3A, %sign3A_53 : i32
        %sign3A_55 = arith.extui %sign3A_54 : i1 to i32
        %sign3A_56 = arith.subi %sign3A_52, %sign3A_55 : i32
        %ne3A = arith.cmpi ne, %sign3A_49, %sign3A_56 : i32
        %rem3A = arith.remsi %sub3A_18, %jit3A : i32
        %ne3A_57 = arith.constant 0 : i32
        %ne3A_58 = arith.cmpi ne, %rem3A, %ne3A_57 : i32
        %and3A_59 = arith.andi %ne3A, %ne3A_58 : i1
        %sub3A_60 = arith.constant 1 : i32
        %sub3A_61 = arith.subi %div3A, %sub3A_60 : i32
        %select_n3A = arith.select %and3A_59, %sub3A_61, %div3A : i32
        %jit3A_62 = arith.constant 25 : i32
        %eq3A = arith.constant 0 : i32
        %eq3A_63 = arith.cmpi eq, %jit3A_62, %eq3A : i32
        %jit3A_64 = arith.constant 1 : i32
        %select_n3A_65 = arith.select %eq3A_63, %jit3A_64, %jit3A_62 : i32
        %rem3A_66 = arith.remsi %sub3A_18, %select_n3A_65 : i32
        %ne3A_67 = arith.constant 0 : i32
        %ne3A_68 = arith.cmpi ne, %rem3A_66, %ne3A_67 : i32
        %lt3A_69 = arith.constant 0 : i32
        %lt3A_70 = arith.cmpi slt, %rem3A_66, %lt3A_69 : i32
        %lt3A_71 = arith.constant 0 : i32
        %lt3A_72 = arith.cmpi slt, %select_n3A_65, %lt3A_71 : i32
        %ne3A_73 = arith.xori %lt3A_70, %lt3A_72 : i1
        %and3A_74 = arith.andi %ne3A_73, %ne3A_68 : i1
        %add3A_75 = arith.addi %rem3A_66, %select_n3A_65 : i32
        %select_n3A_76 = arith.select %and3A_74, %add3A_75, %rem3A_66 : i32
        %mul3A_77 = arith.constant 40 : i32
        %mul3A_78 = arith.muli %select_n3A_76, %mul3A_77 : i32
        %dma_wait3A = arith.constant 0 : i32
        %dma_wait3A_79 = tpu.memref_slice %arg3[%select_n3A, %mul3A_78, %dma_wait3A] : memref<26x1000x1024xf32, #tpu.memory_space<hbm>> -> memref<1x40x1024xf32, #tpu.memory_space<hbm>>
        %dma_wait3A_80 = tpu.memref_squeeze %dma_wait3A_79 : memref<1x40x1024xf32, #tpu.memory_space<hbm>> -> memref<40x1024xf32, #tpu.memory_space<hbm>>
        %dma_wait3A_81 = arith.constant 0 : i32
        %dma_wait3A_82 = tpu.memref_slice %arg3[%select_n3A, %mul3A_78, %dma_wait3A_81] : memref<26x1000x1024xf32, #tpu.memory_space<hbm>> -> memref<1x40x1024xf32, #tpu.memory_space<hbm>>
        %dma_wait3A_83 = tpu.memref_squeeze %dma_wait3A_82 : memref<1x40x1024xf32, #tpu.memory_space<hbm>> -> memref<40x1024xf32, #tpu.memory_space<hbm>>
        tpu.wait_dma2 semaphore(%arg7 : memref<!tpu.dma_semaphore, #tpu.memory_space<semaphore_mem>>) src(%arg5 : memref<40x1024xf32, #tpu.memory_space<vmem>>) dst(%dma_wait3A_83 : memref<40x1024xf32, #tpu.memory_space<hbm>>)
        %jit3A_84 = arith.constant 25 : i32
        %div3A_85 = arith.divsi %sub3A_18, %jit3A_84 : i32
        %sign3A_86 = arith.constant 0 : i32
        %sign3A_87 = arith.cmpi sgt, %sub3A_18, %sign3A_86 : i32
        %sign3A_88 = arith.extui %sign3A_87 : i1 to i32
        %sign3A_89 = arith.constant 0 : i32
        %sign3A_90 = arith.cmpi slt, %sub3A_18, %sign3A_89 : i32
        %sign3A_91 = arith.extui %sign3A_90 : i1 to i32
        %sign3A_92 = arith.subi %sign3A_88, %sign3A_91 : i32
        %sign3A_93 = arith.constant 0 : i32
        %sign3A_94 = arith.cmpi sgt, %jit3A_84, %sign3A_93 : i32
        %sign3A_95 = arith.extui %sign3A_94 : i1 to i32
        %sign3A_96 = arith.constant 0 : i32
        %sign3A_97 = arith.cmpi slt, %jit3A_84, %sign3A_96 : i32
        %sign3A_98 = arith.extui %sign3A_97 : i1 to i32
        %sign3A_99 = arith.subi %sign3A_95, %sign3A_98 : i32
        %ne3A_100 = arith.cmpi ne, %sign3A_92, %sign3A_99 : i32
        %rem3A_101 = arith.remsi %sub3A_18, %jit3A_84 : i32
        %ne3A_102 = arith.constant 0 : i32
        %ne3A_103 = arith.cmpi ne, %rem3A_101, %ne3A_102 : i32
        %and3A_104 = arith.andi %ne3A_100, %ne3A_103 : i1
        %sub3A_105 = arith.constant 1 : i32
        %sub3A_106 = arith.subi %div3A_85, %sub3A_105 : i32
        %select_n3A_107 = arith.select %and3A_104, %sub3A_106, %div3A_85 : i32
        %jit3A_108 = arith.constant 25 : i32
        %eq3A_109 = arith.constant 0 : i32
        %eq3A_110 = arith.cmpi eq, %jit3A_108, %eq3A_109 : i32
        %jit3A_111 = arith.constant 1 : i32
        %select_n3A_112 = arith.select %eq3A_110, %jit3A_111, %jit3A_108 : i32
        %rem3A_113 = arith.remsi %sub3A_18, %select_n3A_112 : i32
        %ne3A_114 = arith.constant 0 : i32
        %ne3A_115 = arith.cmpi ne, %rem3A_113, %ne3A_114 : i32
        %lt3A_116 = arith.constant 0 : i32
        %lt3A_117 = arith.cmpi slt, %rem3A_113, %lt3A_116 : i32
        %lt3A_118 = arith.constant 0 : i32
        %lt3A_119 = arith.cmpi slt, %select_n3A_112, %lt3A_118 : i32
        %ne3A_120 = arith.xori %lt3A_117, %lt3A_119 : i1
        %and3A_121 = arith.andi %ne3A_120, %ne3A_115 : i1
        %add3A_122 = arith.addi %rem3A_113, %select_n3A_112 : i32
        %select_n3A_123 = arith.select %and3A_121, %add3A_122, %rem3A_113 : i32
        %mul3A_124 = arith.constant 40 : i32
        %mul3A_125 = arith.muli %select_n3A_123, %mul3A_124 : i32
        %broadcast_in_dim3A = arith.constant 0.000000e+00 : f32
        %broadcast_in_dim3A_126 = vector.broadcast %broadcast_in_dim3A : f32 to vector<16xf32>
        %scan3A_127 = arith.constant 0 : i32
        %scan3A_128 = arith.constant 64 : i32
        %scan3A_129 = arith.addi %scan3A_127, %scan3A_128 : i32
        %scan3A_130 = arith.constant 1 : i32
        scf.for %scan3A_132 = %scan3A_127 to %scan3A_129 step %scan3A_130  : i32 {
          %mul3A_133 = arith.constant 1 : i32
          %mul3A_134 = arith.muli %scan3A_132, %mul3A_133 : i32
          %add3A_135 = arith.constant 0 : i32
          %add3A_136 = arith.addi %add3A_135, %mul3A_134 : i32
          %mul3A_137 = arith.constant 16 : i32
          %mul3A_138 = arith.muli %add3A_136, %mul3A_137 : i32
          %get3A = arith.index_cast %select_n3A_107 : i32 to index
          %get3A_139 = arith.index_cast %mul3A_138 : i32 to index
          %get3A_140 = tpu.vector_load %arg4[%get3A, %get3A_139] {strides = array<i32>} : memref<26x1024xi32, #tpu.memory_space<vmem>>, vector<16xi32>,
          %sub3A_141 = vector.broadcast %mul3A_125 : i32 to vector<16xi32>
          %sub3A_142 = arith.subi %get3A_140, %sub3A_141 : vector<16xi32>
          %ge3A_143 = arith.constant 0 : i32
          %ge3A_144 = vector.broadcast %ge3A_143 : i32 to vector<16xi32>
          %ge3A_145 = arith.cmpi sge, %sub3A_142, %ge3A_144 : vector<16xi32>
          %lt3A_146 = arith.constant 40 : i32
          %lt3A_147 = vector.broadcast %lt3A_146 : i32 to vector<16xi32>
          %lt3A_148 = arith.cmpi slt, %sub3A_142, %lt3A_147 : vector<16xi32>
          %and3A_149 = arith.andi %ge3A_145, %lt3A_148 : vector<16xi1>
          %jit3A_150 = arith.constant 0 : i32
          %jit3A_151 = arith.constant 39 : i32
          %max3A = vector.broadcast %jit3A_150 : i32 to vector<16xi32>
          %max3A_152 = arith.maxsi %max3A, %sub3A_142 : vector<16xi32>
          %min3A = vector.broadcast %jit3A_151 : i32 to vector<16xi32>
          %min3A_153 = arith.minsi %min3A, %max3A_152 : vector<16xi32>
          %iota3A = tpu.iota {dimensions = array<i32: 0>} : vector<16xi32>
          %mul3A_154 = arith.constant 16 : i32
          %mul3A_155 = arith.muli %add3A_136, %mul3A_154 : i32
          %add3A_156 = vector.broadcast %mul3A_155 : i32 to vector<16xi32>
          %add3A_157 = arith.addi %iota3A, %add3A_156 : vector<16xi32>
          tpu.vector_store_idx %arg5[%min3A_153, %add3A_157], %broadcast_in_dim3A_126 masked %and3A_149 : memref<40x1024xf32, #tpu.memory_space<vmem>>[vector<16xi32>, vector<16xi32>], vector<16xf32>, vector<16xi1>
        }
        %scan3A_131 = arith.constant 64 : i32
      } else {
      }
      %lt3A_22 = arith.constant 650 : i32
      %lt3A_23 = arith.cmpi slt, %add3A_17, %lt3A_22 : i32
      %convert_element_type3A_24 = arith.extui %lt3A_23 : i1 to i32
      %cond3A_25 = arith.constant 0 : i32
      %cond3A_26 = arith.cmpi ne, %convert_element_type3A_24, %cond3A_25 : i32
      scf.if %cond3A_26 {
        %jit3A = arith.constant 25 : i32
        %div3A = arith.divsi %add3A_17, %jit3A : i32
        %sign3A = arith.constant 0 : i32
        %sign3A_44 = arith.cmpi sgt, %add3A_17, %sign3A : i32
        %sign3A_45 = arith.extui %sign3A_44 : i1 to i32
        %sign3A_46 = arith.constant 0 : i32
        %sign3A_47 = arith.cmpi slt, %add3A_17, %sign3A_46 : i32
        %sign3A_48 = arith.extui %sign3A_47 : i1 to i32
        %sign3A_49 = arith.subi %sign3A_45, %sign3A_48 : i32
        %sign3A_50 = arith.constant 0 : i32
        %sign3A_51 = arith.cmpi sgt, %jit3A, %sign3A_50 : i32
        %sign3A_52 = arith.extui %sign3A_51 : i1 to i32
        %sign3A_53 = arith.constant 0 : i32
        %sign3A_54 = arith.cmpi slt, %jit3A, %sign3A_53 : i32
        %sign3A_55 = arith.extui %sign3A_54 : i1 to i32
        %sign3A_56 = arith.subi %sign3A_52, %sign3A_55 : i32
        %ne3A = arith.cmpi ne, %sign3A_49, %sign3A_56 : i32
        %rem3A = arith.remsi %add3A_17, %jit3A : i32
        %ne3A_57 = arith.constant 0 : i32
        %ne3A_58 = arith.cmpi ne, %rem3A, %ne3A_57 : i32
        %and3A_59 = arith.andi %ne3A, %ne3A_58 : i1
        %sub3A_60 = arith.constant 1 : i32
        %sub3A_61 = arith.subi %div3A, %sub3A_60 : i32
        %select_n3A = arith.select %and3A_59, %sub3A_61, %div3A : i32
        %jit3A_62 = arith.constant 25 : i32
        %eq3A = arith.constant 0 : i32
        %eq3A_63 = arith.cmpi eq, %jit3A_62, %eq3A : i32
        %jit3A_64 = arith.constant 1 : i32
        %select_n3A_65 = arith.select %eq3A_63, %jit3A_64, %jit3A_62 : i32
        %rem3A_66 = arith.remsi %add3A_17, %select_n3A_65 : i32
        %ne3A_67 = arith.constant 0 : i32
        %ne3A_68 = arith.cmpi ne, %rem3A_66, %ne3A_67 : i32
        %lt3A_69 = arith.constant 0 : i32
        %lt3A_70 = arith.cmpi slt, %rem3A_66, %lt3A_69 : i32
        %lt3A_71 = arith.constant 0 : i32
        %lt3A_72 = arith.cmpi slt, %select_n3A_65, %lt3A_71 : i32
        %ne3A_73 = arith.xori %lt3A_70, %lt3A_72 : i1
        %and3A_74 = arith.andi %ne3A_73, %ne3A_68 : i1
        %add3A_75 = arith.addi %rem3A_66, %select_n3A_65 : i32
        %select_n3A_76 = arith.select %and3A_74, %add3A_75, %rem3A_66 : i32
        %mul3A_77 = arith.constant 40 : i32
        %mul3A_78 = arith.muli %select_n3A_76, %mul3A_77 : i32
        %broadcast_in_dim3A = arith.constant 1.000000e+00 : f32
        %broadcast_in_dim3A_79 = vector.broadcast %broadcast_in_dim3A : f32 to vector<16xf32>
        %scan3A_80 = arith.constant 0 : i32
        %scan3A_81 = arith.constant 64 : i32
        %scan3A_82 = arith.addi %scan3A_80, %scan3A_81 : i32
        %scan3A_83 = arith.constant 1 : i32
        scf.for %scan3A_132 = %scan3A_80 to %scan3A_82 step %scan3A_83  : i32 {
          %mul3A_133 = arith.constant 1 : i32
          %mul3A_134 = arith.muli %scan3A_132, %mul3A_133 : i32
          %add3A_135 = arith.constant 0 : i32
          %add3A_136 = arith.addi %add3A_135, %mul3A_134 : i32
          %mul3A_137 = arith.constant 16 : i32
          %mul3A_138 = arith.muli %add3A_136, %mul3A_137 : i32
          %get3A = arith.index_cast %select_n3A : i32 to index
          %get3A_139 = arith.index_cast %mul3A_138 : i32 to index
          %get3A_140 = tpu.vector_load %arg4[%get3A, %get3A_139] {strides = array<i32>} : memref<26x1024xi32, #tpu.memory_space<vmem>>, vector<16xi32>,
          %sub3A_141 = vector.broadcast %mul3A_78 : i32 to vector<16xi32>
          %sub3A_142 = arith.subi %get3A_140, %sub3A_141 : vector<16xi32>
          %ge3A_143 = arith.constant 0 : i32
          %ge3A_144 = vector.broadcast %ge3A_143 : i32 to vector<16xi32>
          %ge3A_145 = arith.cmpi sge, %sub3A_142, %ge3A_144 : vector<16xi32>
          %lt3A_146 = arith.constant 40 : i32
          %lt3A_147 = vector.broadcast %lt3A_146 : i32 to vector<16xi32>
          %lt3A_148 = arith.cmpi slt, %sub3A_142, %lt3A_147 : vector<16xi32>
          %and3A_149 = arith.andi %ge3A_145, %lt3A_148 : vector<16xi1>
          %jit3A_150 = arith.constant 0 : i32
          %jit3A_151 = arith.constant 39 : i32
          %max3A = vector.broadcast %jit3A_150 : i32 to vector<16xi32>
          %max3A_152 = arith.maxsi %max3A, %sub3A_142 : vector<16xi32>
          %min3A = vector.broadcast %jit3A_151 : i32 to vector<16xi32>
          %min3A_153 = arith.minsi %min3A, %max3A_152 : vector<16xi32>
          %iota3A = tpu.iota {dimensions = array<i32: 0>} : vector<16xi32>
          %mul3A_154 = arith.constant 16 : i32
          %mul3A_155 = arith.muli %add3A_136, %mul3A_154 : i32
          %add3A_156 = vector.broadcast %mul3A_155 : i32 to vector<16xi32>
          %add3A_157 = arith.addi %iota3A, %add3A_156 : vector<16xi32>
          tpu.vector_store_idx %arg5[%min3A_153, %add3A_157], %broadcast_in_dim3A_79 masked %and3A_149 : memref<40x1024xf32, #tpu.memory_space<vmem>>[vector<16xi32>, vector<16xi32>], vector<16xf32>, vector<16xi1>
        }
        %scan3A_84 = arith.constant 64 : i32
        %jit3A_85 = arith.constant 25 : i32
        %div3A_86 = arith.divsi %add3A_17, %jit3A_85 : i32
        %sign3A_87 = arith.constant 0 : i32
        %sign3A_88 = arith.cmpi sgt, %add3A_17, %sign3A_87 : i32
        %sign3A_89 = arith.extui %sign3A_88 : i1 to i32
        %sign3A_90 = arith.constant 0 : i32
        %sign3A_91 = arith.cmpi slt, %add3A_17, %sign3A_90 : i32
        %sign3A_92 = arith.extui %sign3A_91 : i1 to i32
        %sign3A_93 = arith.subi %sign3A_89, %sign3A_92 : i32
        %sign3A_94 = arith.constant 0 : i32
        %sign3A_95 = arith.cmpi sgt, %jit3A_85, %sign3A_94 : i32
        %sign3A_96 = arith.extui %sign3A_95 : i1 to i32
        %sign3A_97 = arith.constant 0 : i32
        %sign3A_98 = arith.cmpi slt, %jit3A_85, %sign3A_97 : i32
        %sign3A_99 = arith.extui %sign3A_98 : i1 to i32
        %sign3A_100 = arith.subi %sign3A_96, %sign3A_99 : i32
        %ne3A_101 = arith.cmpi ne, %sign3A_93, %sign3A_100 : i32
        %rem3A_102 = arith.remsi %add3A_17, %jit3A_85 : i32
        %ne3A_103 = arith.constant 0 : i32
        %ne3A_104 = arith.cmpi ne, %rem3A_102, %ne3A_103 : i32
        %and3A_105 = arith.andi %ne3A_101, %ne3A_104 : i1
        %sub3A_106 = arith.constant 1 : i32
        %sub3A_107 = arith.subi %div3A_86, %sub3A_106 : i32
        %select_n3A_108 = arith.select %and3A_105, %sub3A_107, %div3A_86 : i32
        %jit3A_109 = arith.constant 25 : i32
        %eq3A_110 = arith.constant 0 : i32
        %eq3A_111 = arith.cmpi eq, %jit3A_109, %eq3A_110 : i32
        %jit3A_112 = arith.constant 1 : i32
        %select_n3A_113 = arith.select %eq3A_111, %jit3A_112, %jit3A_109 : i32
        %rem3A_114 = arith.remsi %add3A_17, %select_n3A_113 : i32
        %ne3A_115 = arith.constant 0 : i32
        %ne3A_116 = arith.cmpi ne, %rem3A_114, %ne3A_115 : i32
        %lt3A_117 = arith.constant 0 : i32
        %lt3A_118 = arith.cmpi slt, %rem3A_114, %lt3A_117 : i32
        %lt3A_119 = arith.constant 0 : i32
        %lt3A_120 = arith.cmpi slt, %select_n3A_113, %lt3A_119 : i32
        %ne3A_121 = arith.xori %lt3A_118, %lt3A_120 : i1
        %and3A_122 = arith.andi %ne3A_121, %ne3A_116 : i1
        %add3A_123 = arith.addi %rem3A_114, %select_n3A_113 : i32
        %select_n3A_124 = arith.select %and3A_122, %add3A_123, %rem3A_114 : i32
        %mul3A_125 = arith.constant 40 : i32
        %mul3A_126 = arith.muli %select_n3A_124, %mul3A_125 : i32
        %dma_start3A = arith.constant 0 : i32
        %dma_start3A_127 = tpu.memref_slice %arg3[%select_n3A_108, %mul3A_126, %dma_start3A] : memref<26x1000x1024xf32, #tpu.memory_space<hbm>> -> memref<1x40x1024xf32, #tpu.memory_space<hbm>>
        %dma_start3A_128 = tpu.memref_squeeze %dma_start3A_127 : memref<1x40x1024xf32, #tpu.memory_space<hbm>> -> memref<40x1024xf32, #tpu.memory_space<hbm>>
        %dma_start3A_129 = arith.constant 0 : i32
        %dma_start3A_130 = tpu.memref_slice %arg3[%select_n3A_108, %mul3A_126, %dma_start3A_129] : memref<26x1000x1024xf32, #tpu.memory_space<hbm>> -> memref<1x40x1024xf32, #tpu.memory_space<hbm>>
        %dma_start3A_131 = tpu.memref_squeeze %dma_start3A_130 : memref<1x40x1024xf32, #tpu.memory_space<hbm>> -> memref<40x1024xf32, #tpu.memory_space<hbm>>
        tpu.enqueue_dma source(%arg5 : memref<40x1024xf32, #tpu.memory_space<vmem>>) target(%dma_start3A_131 : memref<40x1024xf32, #tpu.memory_space<hbm>>) target_semaphore(%arg7 : memref<!tpu.dma_semaphore, #tpu.memory_space<semaphore_mem>>)
      } else {
      }
      %add3A_27 = arith.constant 32 : i32
      %add3A_28 = arith.addi %add3A_17, %add3A_27 : i32
      %sub3A_29 = arith.constant 64 : i32
      %sub3A_30 = arith.subi %add3A_28, %sub3A_29 : i32
      %ge3A_31 = arith.constant 1 : i32
      %ge3A_32 = arith.cmpi sge, %add3A_14, %ge3A_31 : i32
      %lt3A_33 = arith.constant 650 : i32
      %lt3A_34 = arith.cmpi slt, %sub3A_30, %lt3A_33 : i32
      %and3A_35 = arith.andi %ge3A_32, %lt3A_34 : i1
      %convert_element_type3A_36 = arith.extui %and3A_35 : i1 to i32
      %cond3A_37 = arith.constant 0 : i32
      %cond3A_38 = arith.cmpi ne, %convert_element_type3A_36, %cond3A_37 : i32
      scf.if %cond3A_38 {
        %jit3A = arith.constant 25 : i32
        %div3A = arith.divsi %sub3A_30, %jit3A : i32
        %sign3A = arith.constant 0 : i32
        %sign3A_44 = arith.cmpi sgt, %sub3A_30, %sign3A : i32
        %sign3A_45 = arith.extui %sign3A_44 : i1 to i32
        %sign3A_46 = arith.constant 0 : i32
        %sign3A_47 = arith.cmpi slt, %sub3A_30, %sign3A_46 : i32
        %sign3A_48 = arith.extui %sign3A_47 : i1 to i32
        %sign3A_49 = arith.subi %sign3A_45, %sign3A_48 : i32
        %sign3A_50 = arith.constant 0 : i32
        %sign3A_51 = arith.cmpi sgt, %jit3A, %sign3A_50 : i32
        %sign3A_52 = arith.extui %sign3A_51 : i1 to i32
        %sign3A_53 = arith.constant 0 : i32
        %sign3A_54 = arith.cmpi slt, %jit3A, %sign3A_53 : i32
        %sign3A_55 = arith.extui %sign3A_54 : i1 to i32
        %sign3A_56 = arith.subi %sign3A_52, %sign3A_55 : i32
        %ne3A = arith.cmpi ne, %sign3A_49, %sign3A_56 : i32
        %rem3A = arith.remsi %sub3A_30, %jit3A : i32
        %ne3A_57 = arith.constant 0 : i32
        %ne3A_58 = arith.cmpi ne, %rem3A, %ne3A_57 : i32
        %and3A_59 = arith.andi %ne3A, %ne3A_58 : i1
        %sub3A_60 = arith.constant 1 : i32
        %sub3A_61 = arith.subi %div3A, %sub3A_60 : i32
        %select_n3A = arith.select %and3A_59, %sub3A_61, %div3A : i32
        %jit3A_62 = arith.constant 25 : i32
        %eq3A = arith.constant 0 : i32
        %eq3A_63 = arith.cmpi eq, %jit3A_62, %eq3A : i32
        %jit3A_64 = arith.constant 1 : i32
        %select_n3A_65 = arith.select %eq3A_63, %jit3A_64, %jit3A_62 : i32
        %rem3A_66 = arith.remsi %sub3A_30, %select_n3A_65 : i32
        %ne3A_67 = arith.constant 0 : i32
        %ne3A_68 = arith.cmpi ne, %rem3A_66, %ne3A_67 : i32
        %lt3A_69 = arith.constant 0 : i32
        %lt3A_70 = arith.cmpi slt, %rem3A_66, %lt3A_69 : i32
        %lt3A_71 = arith.constant 0 : i32
        %lt3A_72 = arith.cmpi slt, %select_n3A_65, %lt3A_71 : i32
        %ne3A_73 = arith.xori %lt3A_70, %lt3A_72 : i1
        %and3A_74 = arith.andi %ne3A_73, %ne3A_68 : i1
        %add3A_75 = arith.addi %rem3A_66, %select_n3A_65 : i32
        %select_n3A_76 = arith.select %and3A_74, %add3A_75, %rem3A_66 : i32
        %mul3A_77 = arith.constant 40 : i32
        %mul3A_78 = arith.muli %select_n3A_76, %mul3A_77 : i32
        %dma_wait3A = arith.constant 0 : i32
        %dma_wait3A_79 = tpu.memref_slice %arg3[%select_n3A, %mul3A_78, %dma_wait3A] : memref<26x1000x1024xf32, #tpu.memory_space<hbm>> -> memref<1x40x1024xf32, #tpu.memory_space<hbm>>
        %dma_wait3A_80 = tpu.memref_squeeze %dma_wait3A_79 : memref<1x40x1024xf32, #tpu.memory_space<hbm>> -> memref<40x1024xf32, #tpu.memory_space<hbm>>
        %dma_wait3A_81 = arith.constant 0 : i32
        %dma_wait3A_82 = tpu.memref_slice %arg3[%select_n3A, %mul3A_78, %dma_wait3A_81] : memref<26x1000x1024xf32, #tpu.memory_space<hbm>> -> memref<1x40x1024xf32, #tpu.memory_space<hbm>>
        %dma_wait3A_83 = tpu.memref_squeeze %dma_wait3A_82 : memref<1x40x1024xf32, #tpu.memory_space<hbm>> -> memref<40x1024xf32, #tpu.memory_space<hbm>>
        tpu.wait_dma2 semaphore(%arg8 : memref<!tpu.dma_semaphore, #tpu.memory_space<semaphore_mem>>) src(%arg6 : memref<40x1024xf32, #tpu.memory_space<vmem>>) dst(%dma_wait3A_83 : memref<40x1024xf32, #tpu.memory_space<hbm>>)
        %jit3A_84 = arith.constant 25 : i32
        %div3A_85 = arith.divsi %sub3A_30, %jit3A_84 : i32
        %sign3A_86 = arith.constant 0 : i32
        %sign3A_87 = arith.cmpi sgt, %sub3A_30, %sign3A_86 : i32
        %sign3A_88 = arith.extui %sign3A_87 : i1 to i32
        %sign3A_89 = arith.constant 0 : i32
        %sign3A_90 = arith.cmpi slt, %sub3A_30, %sign3A_89 : i32
        %sign3A_91 = arith.extui %sign3A_90 : i1 to i32
        %sign3A_92 = arith.subi %sign3A_88, %sign3A_91 : i32
        %sign3A_93 = arith.constant 0 : i32
        %sign3A_94 = arith.cmpi sgt, %jit3A_84, %sign3A_93 : i32
        %sign3A_95 = arith.extui %sign3A_94 : i1 to i32
        %sign3A_96 = arith.constant 0 : i32
        %sign3A_97 = arith.cmpi slt, %jit3A_84, %sign3A_96 : i32
        %sign3A_98 = arith.extui %sign3A_97 : i1 to i32
        %sign3A_99 = arith.subi %sign3A_95, %sign3A_98 : i32
        %ne3A_100 = arith.cmpi ne, %sign3A_92, %sign3A_99 : i32
        %rem3A_101 = arith.remsi %sub3A_30, %jit3A_84 : i32
        %ne3A_102 = arith.constant 0 : i32
        %ne3A_103 = arith.cmpi ne, %rem3A_101, %ne3A_102 : i32
        %and3A_104 = arith.andi %ne3A_100, %ne3A_103 : i1
        %sub3A_105 = arith.constant 1 : i32
        %sub3A_106 = arith.subi %div3A_85, %sub3A_105 : i32
        %select_n3A_107 = arith.select %and3A_104, %sub3A_106, %div3A_85 : i32
        %jit3A_108 = arith.constant 25 : i32
        %eq3A_109 = arith.constant 0 : i32
        %eq3A_110 = arith.cmpi eq, %jit3A_108, %eq3A_109 : i32
        %jit3A_111 = arith.constant 1 : i32
        %select_n3A_112 = arith.select %eq3A_110, %jit3A_111, %jit3A_108 : i32
        %rem3A_113 = arith.remsi %sub3A_30, %select_n3A_112 : i32
        %ne3A_114 = arith.constant 0 : i32
        %ne3A_115 = arith.cmpi ne, %rem3A_113, %ne3A_114 : i32
        %lt3A_116 = arith.constant 0 : i32
        %lt3A_117 = arith.cmpi slt, %rem3A_113, %lt3A_116 : i32
        %lt3A_118 = arith.constant 0 : i32
        %lt3A_119 = arith.cmpi slt, %select_n3A_112, %lt3A_118 : i32
        %ne3A_120 = arith.xori %lt3A_117, %lt3A_119 : i1
        %and3A_121 = arith.andi %ne3A_120, %ne3A_115 : i1
        %add3A_122 = arith.addi %rem3A_113, %select_n3A_112 : i32
        %select_n3A_123 = arith.select %and3A_121, %add3A_122, %rem3A_113 : i32
        %mul3A_124 = arith.constant 40 : i32
        %mul3A_125 = arith.muli %select_n3A_123, %mul3A_124 : i32
        %broadcast_in_dim3A = arith.constant 0.000000e+00 : f32
        %broadcast_in_dim3A_126 = vector.broadcast %broadcast_in_dim3A : f32 to vector<16xf32>
        %scan3A_127 = arith.constant 0 : i32
        %scan3A_128 = arith.constant 64 : i32
        %scan3A_129 = arith.addi %scan3A_127, %scan3A_128 : i32
        %scan3A_130 = arith.constant 1 : i32
        scf.for %scan3A_132 = %scan3A_127 to %scan3A_129 step %scan3A_130  : i32 {
          %mul3A_133 = arith.constant 1 : i32
          %mul3A_134 = arith.muli %scan3A_132, %mul3A_133 : i32
          %add3A_135 = arith.constant 0 : i32
          %add3A_136 = arith.addi %add3A_135, %mul3A_134 : i32
          %mul3A_137 = arith.constant 16 : i32
          %mul3A_138 = arith.muli %add3A_136, %mul3A_137 : i32
          %get3A = arith.index_cast %select_n3A_107 : i32 to index
          %get3A_139 = arith.index_cast %mul3A_138 : i32 to index
          %get3A_140 = tpu.vector_load %arg4[%get3A, %get3A_139] {strides = array<i32>} : memref<26x1024xi32, #tpu.memory_space<vmem>>, vector<16xi32>,
          %sub3A_141 = vector.broadcast %mul3A_125 : i32 to vector<16xi32>
          %sub3A_142 = arith.subi %get3A_140, %sub3A_141 : vector<16xi32>
          %ge3A_143 = arith.constant 0 : i32
          %ge3A_144 = vector.broadcast %ge3A_143 : i32 to vector<16xi32>
          %ge3A_145 = arith.cmpi sge, %sub3A_142, %ge3A_144 : vector<16xi32>
          %lt3A_146 = arith.constant 40 : i32
          %lt3A_147 = vector.broadcast %lt3A_146 : i32 to vector<16xi32>
          %lt3A_148 = arith.cmpi slt, %sub3A_142, %lt3A_147 : vector<16xi32>
          %and3A_149 = arith.andi %ge3A_145, %lt3A_148 : vector<16xi1>
          %jit3A_150 = arith.constant 0 : i32
          %jit3A_151 = arith.constant 39 : i32
          %max3A = vector.broadcast %jit3A_150 : i32 to vector<16xi32>
          %max3A_152 = arith.maxsi %max3A, %sub3A_142 : vector<16xi32>
          %min3A = vector.broadcast %jit3A_151 : i32 to vector<16xi32>
          %min3A_153 = arith.minsi %min3A, %max3A_152 : vector<16xi32>
          %iota3A = tpu.iota {dimensions = array<i32: 0>} : vector<16xi32>
          %mul3A_154 = arith.constant 16 : i32
          %mul3A_155 = arith.muli %add3A_136, %mul3A_154 : i32
          %add3A_156 = vector.broadcast %mul3A_155 : i32 to vector<16xi32>
          %add3A_157 = arith.addi %iota3A, %add3A_156 : vector<16xi32>
          tpu.vector_store_idx %arg6[%min3A_153, %add3A_157], %broadcast_in_dim3A_126 masked %and3A_149 : memref<40x1024xf32, #tpu.memory_space<vmem>>[vector<16xi32>, vector<16xi32>], vector<16xf32>, vector<16xi1>
        }
        %scan3A_131 = arith.constant 64 : i32
      } else {
      }
      %lt3A_39 = arith.constant 650 : i32
      %lt3A_40 = arith.cmpi slt, %add3A_28, %lt3A_39 : i32
      %convert_element_type3A_41 = arith.extui %lt3A_40 : i1 to i32
      %cond3A_42 = arith.constant 0 : i32
      %cond3A_43 = arith.cmpi ne, %convert_element_type3A_41, %cond3A_42 : i32
      scf.if %cond3A_43 {
        %jit3A = arith.constant 25 : i32
        %div3A = arith.divsi %add3A_28, %jit3A : i32
        %sign3A = arith.constant 0 : i32
        %sign3A_44 = arith.cmpi sgt, %add3A_28, %sign3A : i32
        %sign3A_45 = arith.extui %sign3A_44 : i1 to i32
        %sign3A_46 = arith.constant 0 : i32
        %sign3A_47 = arith.cmpi slt, %add3A_28, %sign3A_46 : i32
        %sign3A_48 = arith.extui %sign3A_47 : i1 to i32
        %sign3A_49 = arith.subi %sign3A_45, %sign3A_48 : i32
        %sign3A_50 = arith.constant 0 : i32
        %sign3A_51 = arith.cmpi sgt, %jit3A, %sign3A_50 : i32
        %sign3A_52 = arith.extui %sign3A_51 : i1 to i32
        %sign3A_53 = arith.constant 0 : i32
        %sign3A_54 = arith.cmpi slt, %jit3A, %sign3A_53 : i32
        %sign3A_55 = arith.extui %sign3A_54 : i1 to i32
        %sign3A_56 = arith.subi %sign3A_52, %sign3A_55 : i32
        %ne3A = arith.cmpi ne, %sign3A_49, %sign3A_56 : i32
        %rem3A = arith.remsi %add3A_28, %jit3A : i32
        %ne3A_57 = arith.constant 0 : i32
        %ne3A_58 = arith.cmpi ne, %rem3A, %ne3A_57 : i32
        %and3A_59 = arith.andi %ne3A, %ne3A_58 : i1
        %sub3A_60 = arith.constant 1 : i32
        %sub3A_61 = arith.subi %div3A, %sub3A_60 : i32
        %select_n3A = arith.select %and3A_59, %sub3A_61, %div3A : i32
        %jit3A_62 = arith.constant 25 : i32
        %eq3A = arith.constant 0 : i32
        %eq3A_63 = arith.cmpi eq, %jit3A_62, %eq3A : i32
        %jit3A_64 = arith.constant 1 : i32
        %select_n3A_65 = arith.select %eq3A_63, %jit3A_64, %jit3A_62 : i32
        %rem3A_66 = arith.remsi %add3A_28, %select_n3A_65 : i32
        %ne3A_67 = arith.constant 0 : i32
        %ne3A_68 = arith.cmpi ne, %rem3A_66, %ne3A_67 : i32
        %lt3A_69 = arith.constant 0 : i32
        %lt3A_70 = arith.cmpi slt, %rem3A_66, %lt3A_69 : i32
        %lt3A_71 = arith.constant 0 : i32
        %lt3A_72 = arith.cmpi slt, %select_n3A_65, %lt3A_71 : i32
        %ne3A_73 = arith.xori %lt3A_70, %lt3A_72 : i1
        %and3A_74 = arith.andi %ne3A_73, %ne3A_68 : i1
        %add3A_75 = arith.addi %rem3A_66, %select_n3A_65 : i32
        %select_n3A_76 = arith.select %and3A_74, %add3A_75, %rem3A_66 : i32
        %mul3A_77 = arith.constant 40 : i32
        %mul3A_78 = arith.muli %select_n3A_76, %mul3A_77 : i32
        %broadcast_in_dim3A = arith.constant 1.000000e+00 : f32
        %broadcast_in_dim3A_79 = vector.broadcast %broadcast_in_dim3A : f32 to vector<16xf32>
        %scan3A_80 = arith.constant 0 : i32
        %scan3A_81 = arith.constant 64 : i32
        %scan3A_82 = arith.addi %scan3A_80, %scan3A_81 : i32
        %scan3A_83 = arith.constant 1 : i32
        scf.for %scan3A_132 = %scan3A_80 to %scan3A_82 step %scan3A_83  : i32 {
          %mul3A_133 = arith.constant 1 : i32
          %mul3A_134 = arith.muli %scan3A_132, %mul3A_133 : i32
          %add3A_135 = arith.constant 0 : i32
          %add3A_136 = arith.addi %add3A_135, %mul3A_134 : i32
          %mul3A_137 = arith.constant 16 : i32
          %mul3A_138 = arith.muli %add3A_136, %mul3A_137 : i32
          %get3A = arith.index_cast %select_n3A : i32 to index
          %get3A_139 = arith.index_cast %mul3A_138 : i32 to index
          %get3A_140 = tpu.vector_load %arg4[%get3A, %get3A_139] {strides = array<i32>} : memref<26x1024xi32, #tpu.memory_space<vmem>>, vector<16xi32>,
          %sub3A_141 = vector.broadcast %mul3A_78 : i32 to vector<16xi32>
          %sub3A_142 = arith.subi %get3A_140, %sub3A_141 : vector<16xi32>
          %ge3A_143 = arith.constant 0 : i32
          %ge3A_144 = vector.broadcast %ge3A_143 : i32 to vector<16xi32>
          %ge3A_145 = arith.cmpi sge, %sub3A_142, %ge3A_144 : vector<16xi32>
          %lt3A_146 = arith.constant 40 : i32
          %lt3A_147 = vector.broadcast %lt3A_146 : i32 to vector<16xi32>
          %lt3A_148 = arith.cmpi slt, %sub3A_142, %lt3A_147 : vector<16xi32>
          %and3A_149 = arith.andi %ge3A_145, %lt3A_148 : vector<16xi1>
          %jit3A_150 = arith.constant 0 : i32
          %jit3A_151 = arith.constant 39 : i32
          %max3A = vector.broadcast %jit3A_150 : i32 to vector<16xi32>
          %max3A_152 = arith.maxsi %max3A, %sub3A_142 : vector<16xi32>
          %min3A = vector.broadcast %jit3A_151 : i32 to vector<16xi32>
          %min3A_153 = arith.minsi %min3A, %max3A_152 : vector<16xi32>
          %iota3A = tpu.iota {dimensions = array<i32: 0>} : vector<16xi32>
          %mul3A_154 = arith.constant 16 : i32
          %mul3A_155 = arith.muli %add3A_136, %mul3A_154 : i32
          %add3A_156 = vector.broadcast %mul3A_155 : i32 to vector<16xi32>
          %add3A_157 = arith.addi %iota3A, %add3A_156 : vector<16xi32>
          tpu.vector_store_idx %arg6[%min3A_153, %add3A_157], %broadcast_in_dim3A_79 masked %and3A_149 : memref<40x1024xf32, #tpu.memory_space<vmem>>[vector<16xi32>, vector<16xi32>], vector<16xf32>, vector<16xi1>
        }
        %scan3A_84 = arith.constant 64 : i32
        %jit3A_85 = arith.constant 25 : i32
        %div3A_86 = arith.divsi %add3A_28, %jit3A_85 : i32
        %sign3A_87 = arith.constant 0 : i32
        %sign3A_88 = arith.cmpi sgt, %add3A_28, %sign3A_87 : i32
        %sign3A_89 = arith.extui %sign3A_88 : i1 to i32
        %sign3A_90 = arith.constant 0 : i32
        %sign3A_91 = arith.cmpi slt, %add3A_28, %sign3A_90 : i32
        %sign3A_92 = arith.extui %sign3A_91 : i1 to i32
        %sign3A_93 = arith.subi %sign3A_89, %sign3A_92 : i32
        %sign3A_94 = arith.constant 0 : i32
        %sign3A_95 = arith.cmpi sgt, %jit3A_85, %sign3A_94 : i32
        %sign3A_96 = arith.extui %sign3A_95 : i1 to i32
        %sign3A_97 = arith.constant 0 : i32
        %sign3A_98 = arith.cmpi slt, %jit3A_85, %sign3A_97 : i32
        %sign3A_99 = arith.extui %sign3A_98 : i1 to i32
        %sign3A_100 = arith.subi %sign3A_96, %sign3A_99 : i32
        %ne3A_101 = arith.cmpi ne, %sign3A_93, %sign3A_100 : i32
        %rem3A_102 = arith.remsi %add3A_28, %jit3A_85 : i32
        %ne3A_103 = arith.constant 0 : i32
        %ne3A_104 = arith.cmpi ne, %rem3A_102, %ne3A_103 : i32
        %and3A_105 = arith.andi %ne3A_101, %ne3A_104 : i1
        %sub3A_106 = arith.constant 1 : i32
        %sub3A_107 = arith.subi %div3A_86, %sub3A_106 : i32
        %select_n3A_108 = arith.select %and3A_105, %sub3A_107, %div3A_86 : i32
        %jit3A_109 = arith.constant 25 : i32
        %eq3A_110 = arith.constant 0 : i32
        %eq3A_111 = arith.cmpi eq, %jit3A_109, %eq3A_110 : i32
        %jit3A_112 = arith.constant 1 : i32
        %select_n3A_113 = arith.select %eq3A_111, %jit3A_112, %jit3A_109 : i32
        %rem3A_114 = arith.remsi %add3A_28, %select_n3A_113 : i32
        %ne3A_115 = arith.constant 0 : i32
        %ne3A_116 = arith.cmpi ne, %rem3A_114, %ne3A_115 : i32
        %lt3A_117 = arith.constant 0 : i32
        %lt3A_118 = arith.cmpi slt, %rem3A_114, %lt3A_117 : i32
        %lt3A_119 = arith.constant 0 : i32
        %lt3A_120 = arith.cmpi slt, %select_n3A_113, %lt3A_119 : i32
        %ne3A_121 = arith.xori %lt3A_118, %lt3A_120 : i1
        %and3A_122 = arith.andi %ne3A_121, %ne3A_116 : i1
        %add3A_123 = arith.addi %rem3A_114, %select_n3A_113 : i32
        %select_n3A_124 = arith.select %and3A_122, %add3A_123, %rem3A_114 : i32
        %mul3A_125 = arith.constant 40 : i32
        %mul3A_126 = arith.muli %select_n3A_124, %mul3A_125 : i32
        %dma_start3A = arith.constant 0 : i32
        %dma_start3A_127 = tpu.memref_slice %arg3[%select_n3A_108, %mul3A_126, %dma_start3A] : memref<26x1000x1024xf32, #tpu.memory_space<hbm>> -> memref<1x40x1024xf32, #tpu.memory_space<hbm>>
        %dma_start3A_128 = tpu.memref_squeeze %dma_start3A_127 : memref<1x40x1024xf32, #tpu.memory_space<hbm>> -> memref<40x1024xf32, #tpu.memory_space<hbm>>
        %dma_start3A_129 = arith.constant 0 : i32
        %dma_start3A_130 = tpu.memref_slice %arg3[%select_n3A_108, %mul3A_126, %dma_start3A_129] : memref<26x1000x1024xf32, #tpu.memory_space<hbm>> -> memref<1x40x1024xf32, #tpu.memory_space<hbm>>
        %dma_start3A_131 = tpu.memref_squeeze %dma_start3A_130 : memref<1x40x1024xf32, #tpu.memory_space<hbm>> -> memref<40x1024xf32, #tpu.memory_space<hbm>>
        tpu.enqueue_dma source(%arg6 : memref<40x1024xf32, #tpu.memory_space<vmem>>) target(%dma_start3A_131 : memref<40x1024xf32, #tpu.memory_space<hbm>>) target_semaphore(%arg8 : memref<!tpu.dma_semaphore, #tpu.memory_space<semaphore_mem>>)
      } else {
      }
    }
    %scan3A_9 = arith.constant 12 : i32
    return
  }
}

</mosaic_0001>

<sc_bundles>
// kernel: kernel.3.cloned.1.call-start
scs
__scs_entry_jumppad:
0x0: {  	(pc) =	sbr.rel $0x88, $3  }
0x1: {  	(tag) =	ssettag $0x0;
	lr =	simm.s32 $0x1  }
0x2: {  	[smem:$0x3FA0] =	sst lr;
	_ =	strace $0xD0000000  }
0x3: {  	_ = 	snop  }
0x4: {  	_ = 	snop  }
0x5: {  	_ = 	snop  }
0x6: {  	_ = 	snop  }
0x7: {  	_ = 	snop  }
__scs_overlays_trampoline_lowered:
0x8: {  	[smem:$0x3FAF] =	sst s0  }
0x9: {  	[smem:$0x3FB0] =	sst s1  }
0xa: {  	[smem:$0x3FB1] =	sst s2  }
0xb: {  	[smem:$0x3FB2] =	sst s3  }
0xc: {  	[smem:$0x3FB3] =	sst s4  }
0xd: {  	[smem:$0x3FB4] =	sst s5  }
0xe: {  	[smem:$0x3FB5] =	sst s6  }
0xf: {  	[smem:$0x3FB6] =	sst s7  }
0x10: {  	[smem:$0x3FB7] =	sst s8  }
0x11: {  	[smem:$0x3FB8] =	sst s9;
	s0 =	simm.s32 @!p0 $0x0  }
0x12: {  	s1 =	sld [smem:$0x3F9E];
	s0 =	simm.s32 @p0 $0x1  }
0x13: {  	[smem:$0x3FB9] =	sst s0;
	s0 =	simm.s32 @!p1 $0x0  }
0x14: {  	s2 =	sld [smem:$0x3F9D];
	s0 =	simm.s32 @p1 $0x1  }
0x15: {  	[smem:$0x3FBA] =	sst s0;
	s0 =	simm.s32 @!p2 $0x0  }
0x16: {  	s3 =	sld [smem:$0x3FDB];
	s0 =	simm.s32 @p2 $0x1  }
0x17: {  	s4 =	simm.s32 $0x1BF5;
	[smem:$0x3FBC] =	sst s0  }
0x18: {  	s0 =	sld [smem:$0x3F9F];
	_ =	swait.ge [sflag:s4], $0x0  }
0x19: {  	s7 =	sld [smem:$0x3FA0]  }
0x1a: {  	s8 =	sadd.s32 $0xFFFFE003, lr  }
0x1b: {  	s9 =	sadd.s32 $0xFFFFFEF7, lr;
	s5 =	simm.s32 $0xFFFFFFFF;
	p2 =	slt.u32 s8, $0xFFFFF086  }
0x1c: {  	p1 =	slt.u32 s9, $0xF7A;
	s5 =	simm.s32 @!p2 $0x0  }
0x1d: {  	s5 =	simm.s32 @p1 $0x1;
	p0 =	seq.s32 s7, s2  }
0x1e: {  	s7 =	smul.u32 @!p0 $0xF7A, s2;
	p2 =	seq.s32 @!p0 s5, $0x0  }
0x1f: {  	s9 =	smul.u32 $0xF7A, s1;
	s8 =	simm.s32 @!p0 $0x1BF5;
	p2 =	por !p2, p0  }
0x20: {  	[sflag:s8] =	ssyncset.s32 @!p0 $0xFFFFF086;
	s6 =	sadd.s32 @!p0 s3, s7;
	s7 =	simm.s32 @!p0 $0x108  }
0x21: {  	s3 =	sadd.s32 s3, s9;
	s6 =	sadd.s32 @!p0 $0x88, s6;
	s7 =	simm.s32 @p2 $0x1082  }
0x22: {  	[simem:s7], [sflag:s8] =	dma.local @!p0 [hbm:s6], $0xF7A  }
0x23: {  	s9 =	sor.u32 $0xD0000000, s2;
	s6 =	simm.s32 $0x108;
	_ =	swait.ge @!p0 [sflag:s8], $0x0  }
0x24: {  	s3 =	sadd.s32 $0x88, s3;
	s6 =	simm.s32 @!p1 $0x1082;
	[sflag:s4] =	ssyncset.s32 $0xFFFFF086  }
0x25: {  	[simem:s6], [sflag:s4] =	dma.local [hbm:s3], $0xF7A  }
0x26: {  	[smem:$0x3FA0] =	sst s1;
	(tag) =	ssettag s2;
	_ =	strace s9  }
0x27: {  	s1 =	sld [smem:$0x3FB0]  }
0x28: {  	s2 =	sld [smem:$0x3FB1]  }
0x29: {  	s4 =	sld [smem:$0x3FB3]  }
0x2a: {  	p0 =	seq.s32 s5, $0x0;
	s5 =	sld [smem:$0x3FB4]  }
0x2b: {  	s6 =	sld [smem:$0x3FB5]  }
0x2c: {  	s7 =	sld [smem:$0x3FB6]  }
0x2d: {  	s3 =	simm.s32 $0x108;
	s8 =	sld [smem:$0x3FB7]  }
0x2e: {  	s3 =	simm.s32 @!p0 $0x1082;
	s9 =	sld [smem:$0x3FB8]  }
0x2f: {  	lr =	sadd.s32 s0, s3;
	s0 =	sld [smem:$0x3FAF]  }
0x30: {  	s3 =	sld [smem:$0x3FB2]  }
0x31: {  	[smem:$0x3FBB] =	sst s10  }
0x32: {  	s10 =	sld [smem:$0x3FB9];
	_ =	sdelay $0x3  }
0x33: {  	p0 =	seq.s32 s10, $0x1;
	s10 =	sld [smem:$0x3FBB];
	_ =	sdelay $0x3  }
0x34: {  	[smem:$0x3FBB] =	sst s10  }
0x35: {  	s10 =	sld [smem:$0x3FBA];
	_ =	sdelay $0x3  }
0x36: {  	p1 =	seq.s32 s10, $0x1;
	s10 =	sld [smem:$0x3FBB];
	_ =	sdelay $0x3  }
0x37: {  	[smem:$0x3FBB] =	sst s10  }
0x38: {  	s10 =	sld [smem:$0x3FBC]  }
0x39: {  	_ = 	snop;
	(pc) =	sbr.ind lr, $3  }
0x3a: {  	_ = 	snop  }
0x3b: {  	_ = 	snop  }
0x3c: {  	p2 =	seq.s32 s10, $0x1;
	s10 =	sld [smem:$0x3FBB]  }
0x3d: {  	_ =	shalt  }
0x3e: {  	_ =	shalt  }
0x3f: {  	_ =	shalt  }
0x40: {  	_ =	shalt  }
0x41: {  	_ =	shalt  }
0x42: {  	_ =	shalt  }
0x43: {  	_ =	shalt  }
0x44: {  	_ =	shalt  }
0x45: {  	_ =	shalt  }
0x46: {  	_ =	shalt  }
0x47: {  	_ =	shalt  }
0x48: {  	_ =	shalt  }
0x49: {  	_ =	shalt  }
0x4a: {  	_ =	shalt  }
0x4b: {  	_ =	shalt  }
0x4c: {  	_ =	shalt  }
0x4d: {  	_ =	shalt  }
0x4e: {  	_ =	shalt  }
0x4f: {  	_ =	shalt  }
0x50: {  	_ =	shalt  }
0x51: {  	_ =	shalt  }
0x52: {  	_ =	shalt  }
0x53: {  	_ =	shalt  }
0x54: {  	_ =	shalt  }
0x55: {  	_ =	shalt  }
0x56: {  	_ =	shalt  }
0x57: {  	_ =	shalt  }
0x58: {  	_ =	shalt  }
0x59: {  	_ =	shalt  }
0x5a: {  	_ =	shalt  }
0x5b: {  	_ =	shalt  }
0x5c: {  	_ =	shalt  }
0x5d: {  	_ =	shalt  }
0x5e: {  	_ =	shalt  }
0x5f: {  	_ =	shalt  }
0x60: {  	_ =	shalt  }
0x61: {  	_ =	shalt  }
0x62: {  	_ =	shalt  }
0x63: {  	_ =	shalt  }
0x64: {  	_ =	shalt  }
0x65: {  	_ =	shalt  }
0x66: {  	_ =	shalt  }
0x67: {  	_ =	shalt  }
0x68: {  	_ =	shalt  }
0x69: {  	_ =	shalt  }
0x6a: {  	_ =	shalt  }
0x6b: {  	_ =	shalt  }
0x6c: {  	_ =	shalt  }
0x6d: {  	_ =	shalt  }
0x6e: {  	_ =	shalt  }
0x6f: {  	_ =	shalt  }
0x70: {  	_ =	shalt  }
0x71: {  	_ =	shalt  }
0x72: {  	_ =	shalt  }
0x73: {  	_ =	shalt  }
0x74: {  	_ =	shalt  }
0x75: {  	_ =	shalt  }
0x76: {  	_ =	shalt  }
0x77: {  	_ =	shalt  }
0x78: {  	_ =	shalt  }
0x79: {  	_ =	shalt  }
0x7a: {  	_ =	shalt  }
0x7b: {  	_ =	shalt  }
0x7c: {  	_ =	shalt  }
0x7d: {  	_ =	shalt  }
0x7e: {  	_ =	shalt  }
0x7f: {  	_ =	shalt  }
0x80: {  	_ =	shalt  }
0x81: {  	_ =	shalt  }
0x82: {  	_ =	shalt  }
0x83: {  	_ =	shalt  }
0x84: {  	_ =	shalt  }
0x85: {  	_ =	shalt  }
0x86: {  	_ =	shalt  }
0x87: {  	_ =	shalt  }
.Lfunc_end0:
.L_simem_size_0:
called_computation_lowered:
.L_overlay_start_0:
0x88: {  	s2 =	sld [smem:$0x3FD9]  }
0x89: {  	s3 =	sld [smem:$0x3FFE];
	_ =	sdelay $0x1  }
0x8a: {  	s1 =	srdreg.scid  }
0x8b: {  	s0 =	sand.u32 $0x1, s1  }
0x8c: {  	s18 =	sshll.u32 s0, $0xA;
	s2 =	sadd.s32 s3, s2  }
0x8d: {  	s2 =	sadd.s32 s2, s18  }
0x8e: {  	[smem:$0x3FC7] =	sst s2  }
0x8f: {  	_ = 	snop  }
0x90: {  	s2 =	sld [smem:$0x3FC9]  }
0x91: {  	s19 =	sld [smem:$0x3FD0];
	(tm) =	ssettm $0x1  }
0x92: {  	s4 =	sld [smem:$0x3FFB];
	_ =	sdelay $0x3  }
0x93: {  	_ =	strace s4  }
0x94: {  	s4 =	sld [smem:$0x3FFC];
	_ =	sdelay $0x3  }
0x95: {  	_ =	strace s4  }
0x96: {  	s4 =	sld [smem:$0x3FFD];
	_ =	sdelay $0x3  }
0x97: {  	_ =	strace s4  }
0x98: {  	_ =	strace $0x8FFFFFFF  }
0x99: {  	s20 =	sld [smem:$0x3FDB];
	_ =	sdelay $0x1  }
0x9a: {  	s5 =	simm.s32 $_scs_section_size  }
0x9b: {  	s6 =	simm.s32 $_size__tile_overlayer_lowered;
	s7 =	simm.s32 $_tile_overlayer_lowered  }
0x9c: {  	s23 =	simm.s32 $0x1BFF;
	s22 =	sshll.u32 s7, $0x1;
	s4 =	sadd.s32 s5, s20  }
0x9d: {  	s8 =	simm.s32 $0x0;
	s21 =	sshll.u32 s6, $0x1;
	s6 =	sadd.s32 s22, s4  }
0x9e: {  	[timem:s8], [sflag:s23] =	dma.local [hbm:s6], s21  }
0x9f: {  	_ =	swait.ge [sflag:s23], s21  }
0xa0: {  	s5 =	ssub.s32 $0x0, s21;
	[sflag:s23] =	ssyncset.done $0x0  }
0xa1: {  	[sflag:s23] =	ssyncadd.s32 s5;
	_ =	sdelay $0x1  }
0xa2: {  	s24 =	simm.s32 $0x1B8B  }
0xa3: {  	_ =	swait.ge [sflag:s24], $0x1  }
0xa4: {  	[sflag:s24] =	ssyncset.done $0x0  }
0xa5: {  	s25 =	simm.s32 $0x1B8E;
	[sflag:s24] =	ssyncadd.s32 $0xFFFFFFFF  }
0xa6: {  	s26 =	simm.s32 $execute0_lowered;
	[smem:$0x3FD2] =	sst s25  }
0xa7: {  	s5 =	sshll.u32 s26, $0x1;
	_ =	strace $0x80000046;
	[dreg:$0x1] =	wrdreg $0xFFFFFFFF  }
0xa8: {  	s28 =	simm.s32 $_size_execute0_lowered;
	s4 =	sadd.s32 s4, s5;
	[dreg:$0x0] =	wrdreg $0x0  }
0xa9: {  	s5 =	sshll.u32 s28, $0x1;
	[dreg:$0x2] =	wrdreg s4  }
0xaa: {  	[dreg:$0x3] =	wrdreg s5  }
0xab: {  	[dreg:$0x4] =	wrdreg $0xC0  }
0xac: {  	_ =	task [dreg:s8], $0x5FFFF  }
0xad: {  	[dreg:$0x1] =	wrdreg $0xFFFFFFFF  }
0xae: {  	[dreg:$0x0] =	wrdreg $0x60  }
0xaf: {  	[dreg:$0x2] =	wrdreg s2  }
0xb0: {  	[dreg:$0x3] =	wrdreg s19  }
0xb1: {  	[dreg:$0x4] =	wrdreg $0x9  }
0xb2: {  	_ =	task.clear_ibuf [dreg:s8], $0x5FFFF;
	_ =	strace $0x90000046  }
0xb3: {  	s29 =	simm.s32 $0x9;
	_ =	strace $0x80000048  }
0xb4: {  	_ =	swait.ge [sflag:s29], $0x1  }
0xb5: {  	[sflag:s29] =	ssyncadd.s32 $0xFFFFFFFF  }
0xb6: {  	_ =	strace $0x90000048  }
0xb7: {  	_ =	sfence  }
0xb8: {  	s30 =	sld [smem:$0x0];
	_ =	sdelay $0x2  }
0xb9: {  	s31 =	sshll.u32 s1, $0xD;
	s1 =	sshrl.u32 s1, $0x2  }
0xba: {  	s3 =	sand.u32 $0x4000, s31;
	s1 =	sadd.s32 s1, s30  }
0xbb: {  	s0 =	sor.u32 s3, s0;
	s1 =	sshll.u32 s1, $0x11  }
0xbc: {  	s0 =	sor.u32 s1, s0  }
0xbd: {  	s0 =	sadd.s32 $0x8F2B, s0  }
0xbe: {  	[sflag:s0] =	ssyncadd.remote.s32 $0x1  }
0xbf: {  	_ =	sfence.sel $0xFFFF  }
0xc0: {  	[dreg:$0x0] =	wrdreg $0xFFFFFFFF;
	(pc) =	sbr.abs _section_cstart, $3  }
0xc1: {  	[dreg:$0x1] =	wrdreg $0xFFFFFFFF  }
0xc2: {  	_ =	task.clear_ibuf [dreg:s8], $0x2FFFF;
	_ =	strace $0x9FFFFFFF  }
0xc3: {  	(tm) =	ssettm $0x7FFFFFFF  }
tec
execute0_lowered:
.L_overlay_start_1:
0x0: {  	(tag) =	ssettag $0x1  }
0x1: {  	s1 =	rddreg [dreg:$0x0]  }
0x2: {  	s0 =	srdreg.scid;
	s2 =	rddreg [dreg:$0x1]  }
0x3: {  	s3 =	simm.s32 $0x0;
	s7 =	simm.s32 $0x3;
	s8 =	simm.s32 $0x1  }
.Ltmp0:
0x4: {  	s9 =	simm.s32 $0x8000;
	s5 =	sand.u32 $0x1, s0;
	(pc) =	sbr.rel .LBB2_1-.Ltmp0, $4  }
0x5: {  	s10 =	simm.s32 $0x2;
	s11 =	simm.s32 $0x12000;
	s4 =	ssub.s32 $0x2, s5  }
0x6: {  	s12 =	simm.s32 $0x0;
	[smem:$0x7FF] =	sst s3;
	s6 =	sshrl.u32 s4, $0x1  }
0x7: {  	s0 =	rddreg [dreg:$0x2];
	_ =	strace $0x80000047;
	s6 =	ssub.s32 s4, s6  }
0x8: {  	v0 =	vimm.f32 $0.0e+00;
	v1 =	vlaneseq.u32;
	v2 =	vimm.f32 $1.000000000e+00;
	s5 =	sshll.u32 s5, $0x4;
	s4 =	stileid.u32;
	s6 =	smax.u32 s6, $0x1  }
.LBB2_23:
0x9: {  	s12 =	sadd.s32 $0x1, s12  }
0xa: {  	p0 =	sne.s32 s12, s6  }
.Ltmp1:
0xb: {  	_ = 	snop;
	(pc) =	sbr.rel @!p0 .LBB2_24-.Ltmp1, $1  }
0xc: {  	_ =	sdelay $0x3  }
.LBB2_1:
0xd: {  	[tilespmem:s3], [sflag:$0x3] =	stream.linear.gather [hbm4b:s1+s3], $0x8000, $0x38;
	[tilespmem:$0x1C000] =	vst v63  }
0xe: {  	_ =	swait.ge [sflag:s7], $0x8000  }
0xf: {  	[sflag:s7] =	ssyncset.done $0x0  }
0x10: {  	s13 =	simm.s32 $0x0;
	[sflag:s7] =	ssyncadd.s32 $0xFFFF8000  }
.LBB2_2:
0x11: {  	s14 =	sshll.u32 s13, $0xA;
	s15 =	sshll.u32 s13, $0x7  }
0x12: {  	s16 =	sand.u32 $0xE000, s14;
	s15 =	sand.u32 $0x380, s15;
	s14 =	simm.s32 $0x0  }
0x13: {  	s15 =	sor.u32 s16, s15;
	s31 =	sand.u32 $0x1C00, s14  }
0x14: {  	s17 =	sand.u32 $0x70, s14;
	s18 =	sor.u32 s31, s15  }
0x15: {  	s16 =	simm.s32 $0x10;
	s17 =	sor.u32 s17, s18  }
.LBB2_3:
0x16: {  	p0 =	sne.s32 s16, $0x3F0  }
0x17: {  	[tilespmem:s17+$0x8000] =	vst v0;
	s14 =	sadd.s32 $0x80, s14;
	s18 =	smov.u32 s16;
	s16 =	sadd.s32 $0x10, s16  }
.Ltmp2:
0x18: {  	[tilespmem:s17+$0x12000] =	vst v0;
	(pc) =	sbr.rel @p0 .LBB2_3-.Ltmp2, $4  }
0x19: {  	_ = 	snop  }
0x1a: {  	s17 =	sand.u32 $0x1C00, s14  }
0x1b: {  	s18 =	sand.u32 $0x70, s18;
	s17 =	sor.u32 s17, s15  }
0x1c: {  	s17 =	sor.u32 s18, s17  }
0x1d: {  	s13 =	sadd.s32 $0x1, s13  }
0x1e: {  	p0 =	sne.s32 s13, $0x28  }
.Ltmp3:
0x1f: {  	_ = 	snop;
	(pc) =	sbr.rel @p0 .LBB2_2-.Ltmp3, $3  }
0x20: {  	_ =	sdelay $0x1  }
0x21: {  	[tilespmem:s17+$0x8000] =	vst v0  }
0x22: {  	[tilespmem:s17+$0x12000] =	vst v0  }
.Ltmp4:
0x23: {  	(pc) =	sbr.rel .LBB2_6-.Ltmp4, $2  }
0x24: {  	_ =	sdelay $0x2  }
0x25: {  	s13 =	simm.s32 $0x0  }
.LBB2_22:
0x26: {  	s13 =	sadd.s32 $0x1, s13  }
0x27: {  	p0 =	sne.s32 s13, $0xC  }
.Ltmp5:
0x28: {  	_ = 	snop;
	(pc) =	sbr.rel @!p0 .LBB2_23-.Ltmp5, $1  }
0x29: {  	_ =	sdelay $0x3  }
.LBB2_6:
0x2a: {  	s14 =	sshll.u32 s13, $0x6  }
0x2b: {  	s14 =	sor.u32 s14, s5  }
0x2c: {  	p0 =	seq.s32 s13, $0x0;
	s14 =	sor.u32 s4, s14  }
0x2d: {  	p1 =	sgt.u32 @!p0 s14, $0x2C9  }
0x2e: {  	p1 =	por p0, p1  }
.Ltmp6:
0x2f: {  	_ = 	snop;
	(pc) =	sbr.rel @p1 .LBB2_10-.Ltmp6, $1  }
0x30: {  	_ =	sdelay $0x3  }
0x31: {  	s15 =	sadd.s32 $0xFFFFFFC0, s14  }
0x32: {  	s16 =	sshll.u32 s15, $0x10  }
0x33: {  	s16 =	sshra.s32 s16, $0x10  }
0x34: {  	s16 =	smul.u32 $0x147B, s16;
	_ =	sdelay $0x1  }
0x35: {  	s17 =	sshrl.u32 s16, $0x1F;
	s16 =	sshra.s32 s16, $0x11  }
0x36: {  	s16 =	sadd.s32 s17, s16  }
0x37: {  	s17 =	smul.u32 $0xFFFFFFE7, s16;
	_ =	sdelay $0x1  }
0x38: {  	s15 =	sadd.s32 s15, s17  }
0x39: {  	s17 =	sand.u32 $0xFFFF, s15  }
0x3a: {  	p1 =	slt.u32 s14, $0x41;
	p2 =	sne.s32 s17, $0x0  }
0x3b: {  	p1 =	por !p1, !p2  }
0x3c: {  	s17 =	simm.s32 $0x1;
	p1 =	por !p1, !p1  }
0x3d: {  	s17 =	simm.s32 @!p1 $0x0  }
0x3e: {  	s16 =	ssub.s32 s16, s17  }
0x3f: {  	s18 =	simm.s32 $0x0;
	s29 =	sshll.u32 s16, $0xA;
	s16 =	sshll.u32 s16, $0x7  }
0x40: {  	s28 =	sshll.u32 s15, $0x10;
	s15 =	sand.u32 $0xFFFFE000, s29;
	s16 =	sand.u32 $0x380, s16  }
0x41: {  	_ =	swait.ge [sflag:s8], $0xA000;
	s30 =	sand.u32 $0x1C00, s18;
	s15 =	sor.u32 s16, s15  }
0x42: {  	[sflag:s8] =	ssyncset.done $0x0;
	s19 =	sand.u32 $0x70, s18;
	s16 =	sadd.s32 s30, s15  }
0x43: {  	[sflag:s8] =	ssyncadd.s32 $0xFFFF6000;
	s17 =	sshra.s32 s28, $0x10;
	s16 =	sadd.s32 s19, s16  }
0x44: {  	p1 =	slt.s32 s17, $0x0;
	s19 =	sadd.s32 $0x19, s17;
	v4 =	vld [tilespmem:s16+$0x0]  }
0x45: {  	s17 =	smov.u32 @p1 s19  }
0x46: {  	s31 =	smul.u32 $0xFFFFFFD8, s17;
	_ =	sdelay $0x1  }
0x47: {  	v3 =	vmov s31  }
0x48: {  	v4 =	vadd.s32 v3, v4  }
0x49: {  	vm0 =	vgt.s32 v4, $0x0  }
0x4a: {  	v6 =	vmov s18;
	v5 =	vnsel vm0, $0x0, v4  }
0x4b: {  	v7 =	vor.u32 s18, v1;
	v6 =	vshll.u32 v6, $0x3;
	v5 =	vmin.u32 v5, $0x27  }
0x4c: {  	v7 =	vand.u32 $0x7F, v7;
	v6 =	vand.u32 $0x1C00, v6;
	v8 =	vshll.u32 v5, $0xA  }
0x4d: {  	v6 =	vor.u32 v6, v7;
	v5 =	vshll.u32 v5, $0x7;
	v8 =	vand.u32 $0xE000, v8  }
0x4e: {  	vm0 =	vlt.u32 v4, $0x28;
	v5 =	vand.u32 $0x380, v5;
	v6 =	vor.u32 v8, v6  }
0x4f: {  	v4 =	vor.u32 v5, v6;
	_ =	sdelay $0x1  }
0x50: {  	s17 =	simm.s32 $0x80  }
0x51: {  	s18 =	simm.s32 $0x20;
	s16 =	simm.s32 $0x10;
	s19 =	sand.u32 $0x1C00, s17  }
.LBB2_8:
0x52: {  	p1 =	sne.s32 s18, $0x3F0;
	s20 =	sand.u32 $0x70, s16;
	s19 =	sadd.s32 s19, s15  }
0x53: {  	s19 =	sadd.s32 s20, s19;
	[tilespmem:v4+s9+$0x0] =	vst.idx.msk vm0, v0  }
0x54: {  	v4 =	vld [tilespmem:s19+$0x0];
	_ =	sdelay $0x4  }
0x55: {  	v4 =	vadd.s32 v3, v4  }
0x56: {  	vm0 =	vgt.s32 v4, $0x0  }
0x57: {  	v6 =	vmov s16;
	v5 =	vnsel vm0, $0x0, v4  }
0x58: {  	v7 =	vor.u32 s16, v1;
	s16 =	smov.u32 s18;
	v6 =	vshll.u32 v6, $0x3;
	v5 =	vmin.u32 v5, $0x27  }
0x59: {  	v7 =	vand.u32 $0x7F, v7;
	v6 =	vand.u32 $0x1C00, v6;
	v8 =	vshll.u32 v5, $0xA  }
0x5a: {  	v6 =	vor.u32 v6, v7;
	v5 =	vshll.u32 v5, $0x7;
	v8 =	vand.u32 $0xE000, v8  }
.Ltmp7:
0x5b: {  	vm0 =	vlt.u32 v4, $0x28;
	v4 =	vand.u32 $0x380, v5;
	v5 =	vor.u32 v8, v6;
	(pc) =	sbr.rel @p1 .LBB2_8-.Ltmp7, $3  }
0x5c: {  	v4 =	vor.u32 v4, v5;
	_ =	sdelay $0x1  }
0x5d: {  	s17 =	sadd.s32 $0x80, s17  }
0x5e: {  	s18 =	sadd.s32 $0x10, s18;
	s19 =	sand.u32 $0x1C00, s17  }
0x5f: {  	_ =	sdelay $0x3  }
0x60: {  	s17 =	sand.u32 $0x70, s16;
	s15 =	sadd.s32 s19, s15  }
0x61: {  	[tilespmem:v4+s9+$0x0] =	vst.idx.msk vm0, v0;
	s15 =	sadd.s32 s17, s15  }
0x62: {  	v4 =	vld [tilespmem:s15+$0x0];
	_ =	sdelay $0x4  }
0x63: {  	v3 =	vadd.s32 v3, v4  }
0x64: {  	vm14 =	vgt.s32 v3, $0x0  }
0x65: {  	v5 =	vmov s16;
	v4 =	vnsel vm14, $0x0, v3  }
0x66: {  	v6 =	vor.u32 s16, v1;
	v5 =	vshll.u32 v5, $0x3;
	v4 =	vmin.u32 v4, $0x27  }
0x67: {  	v6 =	vand.u32 $0x7F, v6;
	v5 =	vand.u32 $0x1C00, v5;
	v7 =	vshll.u32 v4, $0xA  }
0x68: {  	v5 =	vor.u32 v5, v6;
	v4 =	vshll.u32 v4, $0x7;
	v7 =	vand.u32 $0xE000, v7  }
0x69: {  	vm15 =	vlt.u32 v3, $0x28;
	v3 =	vand.u32 $0x380, v4;
	v63 =	vor.u32 v7, v5  }
0x6a: {  	v3 =	vor.u32 v3, v63;
	_ =	sdelay $0x4  }
0x6b: {  	[tilespmem:v3+s9+$0x0] =	vst.idx.msk vm15, v0  }
.LBB2_10:
0x6c: {  	p1 =	sgt.u32 s14, $0x289  }
.Ltmp8:
0x6d: {  	_ = 	snop;
	(pc) =	sbr.rel @p1 .LBB2_14-.Ltmp8, $1  }
0x6e: {  	_ =	sdelay $0x3  }
0x6f: {  	s15 =	smul.u32 $0x47AF, s14;
	_ =	sdelay $0x1  }
0x70: {  	s15 =	sshrl.u32 s15, $0x10  }
0x71: {  	s16 =	ssub.s32 s14, s15  }
0x72: {  	s16 =	sand.u32 $0xFFFE, s16  }
0x73: {  	s16 =	sshrl.u32 s16, $0x1  }
0x74: {  	s15 =	sadd.s32 s15, s16  }
0x75: {  	s16 =	sand.u32 $0xFFF0, s15;
	s17 =	sshll.u32 s15, $0x6;
	s15 =	sshll.u32 s15, $0x3  }
0x76: {  	s19 =	simm.s32 $0x0;
	s17 =	sand.u32 $0xE000, s17;
	s18 =	sand.u32 $0x380, s15  }
0x77: {  	s30 =	sand.u32 $0x1C00, s19;
	s15 =	sshrl.u32 s16, $0x4;
	s17 =	sor.u32 s18, s17  }
0x78: {  	s20 =	sand.u32 $0x70, s19;
	s31 =	smul.u32 $0x19, s15;
	s16 =	sadd.s32 s30, s17  }
0x79: {  	s16 =	sadd.s32 s20, s16  }
0x7a: {  	s18 =	ssub.s32 s14, s31;
	v4 =	vld [tilespmem:s16+$0x0]  }
0x7b: {  	s16 =	sand.u32 $0xFFFF, s18  }
0x7c: {  	s18 =	smul.u32 $0xFFFFFFD8, s16;
	_ =	sdelay $0x1  }
0x7d: {  	v3 =	vmov s18  }
0x7e: {  	v4 =	vadd.s32 v3, v4  }
0x7f: {  	vm0 =	vgt.s32 v4, $0x0  }
0x80: {  	v6 =	vmov s19;
	v5 =	vnsel vm0, $0x0, v4  }
0x81: {  	v7 =	vor.u32 s19, v1;
	v6 =	vshll.u32 v6, $0x3;
	v5 =	vmin.u32 v5, $0x27  }
0x82: {  	v7 =	vand.u32 $0x7F, v7;
	v6 =	vand.u32 $0x1C00, v6;
	v8 =	vshll.u32 v5, $0xA  }
0x83: {  	v6 =	vor.u32 v6, v7;
	v5 =	vshll.u32 v5, $0x7;
	v8 =	vand.u32 $0xE000, v8  }
0x84: {  	vm0 =	vlt.u32 v4, $0x28;
	v5 =	vand.u32 $0x380, v5;
	v6 =	vor.u32 v8, v6  }
0x85: {  	v4 =	vor.u32 v5, v6;
	_ =	sdelay $0x1  }
0x86: {  	s19 =	simm.s32 $0x80  }
0x87: {  	s21 =	sand.u32 $0x1C00, s19;
	s20 =	simm.s32 $0x20;
	s18 =	simm.s32 $0x10  }
.LBB2_12:
0x88: {  	p1 =	sne.s32 s20, $0x3F0;
	s22 =	sand.u32 $0x70, s18;
	s21 =	sadd.s32 s21, s17  }
0x89: {  	s21 =	sadd.s32 s22, s21;
	[tilespmem:v4+s9+$0x0] =	vst.idx.msk vm0, v2  }
0x8a: {  	v4 =	vld [tilespmem:s21+$0x0];
	_ =	sdelay $0x4  }
0x8b: {  	v4 =	vadd.s32 v3, v4  }
0x8c: {  	vm0 =	vgt.s32 v4, $0x0  }
0x8d: {  	v6 =	vmov s18;
	v5 =	vnsel vm0, $0x0, v4  }
0x8e: {  	v7 =	vor.u32 s18, v1;
	s18 =	smov.u32 s20;
	v6 =	vshll.u32 v6, $0x3;
	v5 =	vmin.u32 v5, $0x27  }
0x8f: {  	v7 =	vand.u32 $0x7F, v7;
	v6 =	vand.u32 $0x1C00, v6;
	v8 =	vshll.u32 v5, $0xA  }
0x90: {  	v6 =	vor.u32 v6, v7;
	v5 =	vshll.u32 v5, $0x7;
	v8 =	vand.u32 $0xE000, v8  }
.Ltmp9:
0x91: {  	vm0 =	vlt.u32 v4, $0x28;
	v4 =	vand.u32 $0x380, v5;
	v5 =	vor.u32 v8, v6;
	(pc) =	sbr.rel @p1 .LBB2_12-.Ltmp9, $3  }
0x92: {  	v4 =	vor.u32 v4, v5;
	_ =	sdelay $0x1  }
0x93: {  	s19 =	sadd.s32 $0x80, s19  }
0x94: {  	s20 =	sadd.s32 $0x10, s20;
	s21 =	sand.u32 $0x1C00, s19  }
0x95: {  	_ =	sdelay $0x3  }
0x96: {  	s19 =	sand.u32 $0x70, s18;
	s17 =	sadd.s32 s21, s17  }
0x97: {  	[tilespmem:v4+s9+$0x0] =	vst.idx.msk vm0, v2;
	s17 =	sadd.s32 s19, s17  }
0x98: {  	v4 =	vld [tilespmem:s17+$0x0];
	_ =	sdelay $0x4  }
0x99: {  	v3 =	vadd.s32 v3, v4  }
0x9a: {  	vm14 =	vgt.s32 v3, $0x0  }
0x9b: {  	v5 =	vmov s18;
	v4 =	vnsel vm14, $0x0, v3  }
0x9c: {  	v6 =	vor.u32 s18, v1;
	v5 =	vshll.u32 v5, $0x3;
	v4 =	vmin.u32 v4, $0x27  }
0x9d: {  	v6 =	vand.u32 $0x7F, v6;
	v5 =	vand.u32 $0x1C00, v5;
	v7 =	vshll.u32 v4, $0xA  }
0x9e: {  	v5 =	vor.u32 v5, v6;
	v4 =	vshll.u32 v4, $0x7;
	v7 =	vand.u32 $0xE000, v7  }
0x9f: {  	vm15 =	vlt.u32 v3, $0x28;
	v3 =	vand.u32 $0x380, v4;
	v63 =	vor.u32 v7, v5  }
0xa0: {  	s15 =	smul.u32 $0xFA000, s15;
	v3 =	vor.u32 v3, v63  }
0xa1: {  	s16 =	smul.u32 $0xA000, s16;
	_ =	sdelay $0x1  }
0xa2: {  	s15 =	sadd.s32 s16, s15  }
0xa3: {  	s15 =	sshrl.u32 s15, $0x3  }
0xa4: {  	s15 =	sadd.s32 s2, s15;
	[tilespmem:v3+s9+$0x0] =	vst.idx.msk vm15, v2  }
0xa5: {  	[hbm4b:s15+s3] =	stream.linear.scatter [tilespmem:s9], [sflag:$0x1], $0xA000, $0x38;
	[tilespmem:$0x1C000] =	vst v63  }
.LBB2_14:
0xa6: {  	p1 =	sgt.u32 @!p0 s14, $0x2A9  }
0xa7: {  	p0 =	por p0, p1  }
.Ltmp10:
0xa8: {  	_ = 	snop;
	(pc) =	sbr.rel @p0 .LBB2_18-.Ltmp10, $1  }
0xa9: {  	_ =	sdelay $0x3  }
0xaa: {  	s15 =	sadd.s32 $0xFFFFFFE0, s14  }
0xab: {  	s16 =	sshll.u32 s15, $0x10  }
0xac: {  	s16 =	sshra.s32 s16, $0x10  }
0xad: {  	s16 =	smul.u32 $0x147B, s16;
	_ =	sdelay $0x1  }
0xae: {  	s17 =	sshrl.u32 s16, $0x1F;
	s16 =	sshra.s32 s16, $0x11  }
0xaf: {  	s16 =	sadd.s32 s17, s16  }
0xb0: {  	s17 =	smul.u32 $0xFFFFFFE7, s16  }
0xb1: {  	s18 =	simm.s32 $0x0  }
0xb2: {  	s29 =	sshll.u32 s16, $0xA;
	s16 =	sshll.u32 s16, $0x7;
	s15 =	sadd.s32 s15, s17  }
0xb3: {  	s16 =	sand.u32 $0x380, s16;
	s17 =	sshll.u32 s15, $0x10;
	s15 =	sand.u32 $0xFFFFE000, s29  }
0xb4: {  	_ =	swait.ge [sflag:s10], $0xA000;
	s30 =	sand.u32 $0x1C00, s18;
	s15 =	sor.u32 s16, s15  }
0xb5: {  	[sflag:s10] =	ssyncset.done $0x0;
	s19 =	sand.u32 $0x70, s18;
	s16 =	sadd.s32 s30, s15  }
0xb6: {  	[sflag:s10] =	ssyncadd.s32 $0xFFFF6000;
	s17 =	sshra.s32 s17, $0x10;
	s16 =	sadd.s32 s19, s16  }
0xb7: {  	p0 =	slt.s32 s17, $0x0;
	s19 =	sadd.s32 $0x19, s17;
	v4 =	vld [tilespmem:s16+$0x0]  }
0xb8: {  	s17 =	smov.u32 @p0 s19  }
0xb9: {  	s31 =	smul.u32 $0xFFFFFFD8, s17;
	_ =	sdelay $0x1  }
0xba: {  	v3 =	vmov s31  }
0xbb: {  	v4 =	vadd.s32 v3, v4  }
0xbc: {  	vm0 =	vgt.s32 v4, $0x0  }
0xbd: {  	v6 =	vmov s18;
	v5 =	vnsel vm0, $0x0, v4  }
0xbe: {  	v7 =	vor.u32 s18, v1;
	v6 =	vshll.u32 v6, $0x3;
	v5 =	vmin.u32 v5, $0x27  }
0xbf: {  	v7 =	vand.u32 $0x7F, v7;
	v6 =	vand.u32 $0x1C00, v6;
	v8 =	vshll.u32 v5, $0xA  }
0xc0: {  	v6 =	vor.u32 v6, v7;
	v5 =	vshll.u32 v5, $0x7;
	v8 =	vand.u32 $0xE000, v8  }
0xc1: {  	vm0 =	vlt.u32 v4, $0x28;
	v5 =	vand.u32 $0x380, v5;
	v6 =	vor.u32 v8, v6  }
0xc2: {  	v4 =	vor.u32 v5, v6;
	_ =	sdelay $0x1  }
0xc3: {  	s17 =	simm.s32 $0x80  }
0xc4: {  	s18 =	simm.s32 $0x20;
	s16 =	simm.s32 $0x10;
	s19 =	sand.u32 $0x1C00, s17  }
.LBB2_16:
0xc5: {  	p0 =	sne.s32 s18, $0x3F0;
	s20 =	sand.u32 $0x70, s16;
	s19 =	sadd.s32 s19, s15  }
0xc6: {  	s19 =	sadd.s32 s20, s19;
	[tilespmem:v4+s11+$0x0] =	vst.idx.msk vm0, v0  }
0xc7: {  	v4 =	vld [tilespmem:s19+$0x0];
	_ =	sdelay $0x4  }
0xc8: {  	v4 =	vadd.s32 v3, v4  }
0xc9: {  	vm0 =	vgt.s32 v4, $0x0  }
0xca: {  	v6 =	vmov s16;
	v5 =	vnsel vm0, $0x0, v4  }
0xcb: {  	v7 =	vor.u32 s16, v1;
	s16 =	smov.u32 s18;
	v6 =	vshll.u32 v6, $0x3;
	v5 =	vmin.u32 v5, $0x27  }
0xcc: {  	v7 =	vand.u32 $0x7F, v7;
	v6 =	vand.u32 $0x1C00, v6;
	v8 =	vshll.u32 v5, $0xA  }
0xcd: {  	v6 =	vor.u32 v6, v7;
	v5 =	vshll.u32 v5, $0x7;
	v8 =	vand.u32 $0xE000, v8  }
.Ltmp11:
0xce: {  	vm0 =	vlt.u32 v4, $0x28;
	v4 =	vand.u32 $0x380, v5;
	v5 =	vor.u32 v8, v6;
	(pc) =	sbr.rel @p0 .LBB2_16-.Ltmp11, $3  }
0xcf: {  	v4 =	vor.u32 v4, v5;
	_ =	sdelay $0x1  }
0xd0: {  	s17 =	sadd.s32 $0x80, s17  }
0xd1: {  	s18 =	sadd.s32 $0x10, s18;
	s19 =	sand.u32 $0x1C00, s17  }
0xd2: {  	_ =	sdelay $0x3  }
0xd3: {  	s17 =	sand.u32 $0x70, s16;
	s15 =	sadd.s32 s19, s15  }
0xd4: {  	[tilespmem:v4+s11+$0x0] =	vst.idx.msk vm0, v0;
	s15 =	sadd.s32 s17, s15  }
0xd5: {  	v4 =	vld [tilespmem:s15+$0x0];
	_ =	sdelay $0x4  }
0xd6: {  	v3 =	vadd.s32 v3, v4  }
0xd7: {  	vm14 =	vgt.s32 v3, $0x0  }
0xd8: {  	v5 =	vmov s16;
	v4 =	vnsel vm14, $0x0, v3  }
0xd9: {  	v6 =	vor.u32 s16, v1;
	v5 =	vshll.u32 v5, $0x3;
	v4 =	vmin.u32 v4, $0x27  }
0xda: {  	v6 =	vand.u32 $0x7F, v6;
	v5 =	vand.u32 $0x1C00, v5;
	v7 =	vshll.u32 v4, $0xA  }
0xdb: {  	v5 =	vor.u32 v5, v6;
	v4 =	vshll.u32 v4, $0x7;
	v7 =	vand.u32 $0xE000, v7  }
0xdc: {  	vm15 =	vlt.u32 v3, $0x28;
	v3 =	vand.u32 $0x380, v4;
	v63 =	vor.u32 v7, v5  }
0xdd: {  	v3 =	vor.u32 v3, v63;
	_ =	sdelay $0x4  }
0xde: {  	[tilespmem:v3+s11+$0x0] =	vst.idx.msk vm15, v0  }
.LBB2_18:
0xdf: {  	s15 =	sor.u32 $0x20, s14  }
0xe0: {  	p0 =	sgt.u32 s15, $0x289  }
.Ltmp12:
0xe1: {  	_ = 	snop;
	(pc) =	sbr.rel @p0 .LBB2_22-.Ltmp12, $1  }
0xe2: {  	_ =	sdelay $0x3  }
0xe3: {  	s14 =	smul.u32 $0x47AF, s15;
	_ =	sdelay $0x1  }
0xe4: {  	s14 =	sshrl.u32 s14, $0x10  }
0xe5: {  	s16 =	ssub.s32 s15, s14  }
0xe6: {  	s16 =	sand.u32 $0xFFFE, s16  }
0xe7: {  	s16 =	sshrl.u32 s16, $0x1  }
0xe8: {  	s14 =	sadd.s32 s14, s16  }
0xe9: {  	s16 =	sand.u32 $0xFFF0, s14;
	s17 =	sshll.u32 s14, $0x6;
	s14 =	sshll.u32 s14, $0x3  }
0xea: {  	s19 =	simm.s32 $0x0;
	s17 =	sand.u32 $0xE000, s17;
	s18 =	sand.u32 $0x380, s14  }
0xeb: {  	s28 =	sand.u32 $0x1C00, s19;
	s14 =	sshrl.u32 s16, $0x4;
	s16 =	sor.u32 s18, s17  }
0xec: {  	s20 =	sand.u32 $0x70, s19;
	s29 =	smul.u32 $0x19, s14;
	s17 =	sadd.s32 s28, s16  }
0xed: {  	s17 =	sadd.s32 s20, s17  }
0xee: {  	s30 =	ssub.s32 s15, s29;
	v4 =	vld [tilespmem:s17+$0x0]  }
0xef: {  	s15 =	sand.u32 $0xFFFF, s30  }
0xf0: {  	s31 =	smul.u32 $0xFFFFFFD8, s15;
	_ =	sdelay $0x1  }
0xf1: {  	v3 =	vmov s31  }
0xf2: {  	v4 =	vadd.s32 v3, v4  }
0xf3: {  	vm0 =	vgt.s32 v4, $0x0  }
0xf4: {  	v6 =	vmov s19;
	v5 =	vnsel vm0, $0x0, v4  }
0xf5: {  	v7 =	vor.u32 s19, v1;
	v6 =	vshll.u32 v6, $0x3;
	v5 =	vmin.u32 v5, $0x27  }
0xf6: {  	v7 =	vand.u32 $0x7F, v7;
	v6 =	vand.u32 $0x1C00, v6;
	v8 =	vshll.u32 v5, $0xA  }
0xf7: {  	v6 =	vor.u32 v6, v7;
	v5 =	vshll.u32 v5, $0x7;
	v8 =	vand.u32 $0xE000, v8  }
0xf8: {  	vm0 =	vlt.u32 v4, $0x28;
	v5 =	vand.u32 $0x380, v5;
	v6 =	vor.u32 v8, v6  }
0xf9: {  	v4 =	vor.u32 v5, v6;
	_ =	sdelay $0x1  }
0xfa: {  	s18 =	simm.s32 $0x80  }
0xfb: {  	s19 =	simm.s32 $0x20;
	s20 =	sand.u32 $0x1C00, s18;
	s17 =	simm.s32 $0x10  }
.LBB2_20:
0xfc: {  	p0 =	sne.s32 s19, $0x3F0;
	s21 =	sand.u32 $0x70, s17;
	s20 =	sadd.s32 s20, s16  }
0xfd: {  	s20 =	sadd.s32 s21, s20;
	[tilespmem:v4+s11+$0x0] =	vst.idx.msk vm0, v2  }
0xfe: {  	v4 =	vld [tilespmem:s20+$0x0];
	_ =	sdelay $0x4  }
0xff: {  	v4 =	vadd.s32 v3, v4  }
0x100: {  	vm0 =	vgt.s32 v4, $0x0  }
0x101: {  	v6 =	vmov s17;
	v5 =	vnsel vm0, $0x0, v4  }
0x102: {  	v7 =	vor.u32 s17, v1;
	s17 =	smov.u32 s19;
	v6 =	vshll.u32 v6, $0x3;
	v5 =	vmin.u32 v5, $0x27  }
0x103: {  	v7 =	vand.u32 $0x7F, v7;
	v6 =	vand.u32 $0x1C00, v6;
	v8 =	vshll.u32 v5, $0xA  }
0x104: {  	v6 =	vor.u32 v6, v7;
	v5 =	vshll.u32 v5, $0x7;
	v8 =	vand.u32 $0xE000, v8  }
.Ltmp13:
0x105: {  	vm0 =	vlt.u32 v4, $0x28;
	v4 =	vand.u32 $0x380, v5;
	v5 =	vor.u32 v8, v6;
	(pc) =	sbr.rel @p0 .LBB2_20-.Ltmp13, $3  }
0x106: {  	v4 =	vor.u32 v4, v5;
	_ =	sdelay $0x1  }
0x107: {  	s18 =	sadd.s32 $0x80, s18  }
0x108: {  	s19 =	sadd.s32 $0x10, s19;
	s20 =	sand.u32 $0x1C00, s18  }
0x109: {  	_ =	sdelay $0x3  }
0x10a: {  	s18 =	sand.u32 $0x70, s17;
	s16 =	sadd.s32 s20, s16  }
0x10b: {  	[tilespmem:v4+s11+$0x0] =	vst.idx.msk vm0, v2;
	s16 =	sadd.s32 s18, s16  }
0x10c: {  	v4 =	vld [tilespmem:s16+$0x0];
	_ =	sdelay $0x4  }
0x10d: {  	v3 =	vadd.s32 v3, v4  }
0x10e: {  	vm14 =	vgt.s32 v3, $0x0  }
0x10f: {  	v5 =	vmov s17;
	v4 =	vnsel vm14, $0x0, v3  }
0x110: {  	v6 =	vor.u32 s17, v1;
	v5 =	vshll.u32 v5, $0x3;
	v4 =	vmin.u32 v4, $0x27  }
0x111: {  	v6 =	vand.u32 $0x7F, v6;
	v5 =	vand.u32 $0x1C00, v5;
	v7 =	vshll.u32 v4, $0xA  }
0x112: {  	v5 =	vor.u32 v5, v6;
	v4 =	vshll.u32 v4, $0x7;
	v7 =	vand.u32 $0xE000, v7  }
0x113: {  	vm15 =	vlt.u32 v3, $0x28;
	v3 =	vand.u32 $0x380, v4;
	v63 =	vor.u32 v7, v5  }
0x114: {  	s14 =	smul.u32 $0xFA000, s14;
	v3 =	vor.u32 v3, v63  }
0x115: {  	s15 =	smul.u32 $0xA000, s15  }
.Ltmp14:
0x116: {  	_ = 	snop;
	(pc) =	sbr.rel .LBB2_22-.Ltmp14, $4  }
0x117: {  	s14 =	sadd.s32 s15, s14  }
0x118: {  	s14 =	sshrl.u32 s14, $0x3  }
0x119: {  	s14 =	sadd.s32 s2, s14;
	[tilespmem:v3+s11+$0x0] =	vst.idx.msk vm15, v2  }
0x11a: {  	[hbm4b:s14+s3] =	stream.linear.scatter [tilespmem:s11], [sflag:$0x2], $0xA000, $0x38;
	[tilespmem:$0x1C000] =	vst v63  }
.LBB2_24:
0x11b: {  	_ =	sfence.sel $0x180000  }
0x11c: {  	[bflag:$0x0] =	sbarrier.arrive $0xFFFF  }
0x11d: {  	p0 =	sne.s32 s4, $0x0;
	_ =	strace $0x90000047  }
0x11e: {  	s0 =	sadd.s32 @!p0 $0x100000, s0;
	[bflag:$0x2] =	sbarrier.arrive $0xFFFF  }
0x11f: {  	[sflag:s0] =	ssyncadd.tile.s32 @!p0 $0x1;
	_ =	shalt  }
.Lfunc_end2:
_tile_overlayer_lowered:
.L_overlay_start_2:
0x120: {  	(tag) =	ssettag $0x2  }
0x121: {  	s0 =	rddreg [dreg:$0x0];
	s2 =	stileid.u32  }
0x122: {  	s1 =	rddreg [dreg:$0x1];
	p0 =	sne.s32 s2, $0x0  }
0x123: {  	s3 =	rddreg [dreg:$0x2];
	[bflag:$0x3] =	sbarrier.arrive $0xFFFF;
	s2 =	simm.s32 @!p0 $0x1C03  }
0x124: {  	[timem:s3], [sflag:s2] =	dma.local @!p0 [hbm:s0], s1  }
0x125: {  	s0 =	simm.s32 @!p0 $0x3  }
0x126: {  	_ =	swait.ge @!p0 [sflag:s0], s1  }
0x127: {  	s1 =	ssub.s32 @!p0 $0x0, s1;
	[sflag:s0] =	ssyncset.done @!p0 $0x0  }
0x128: {  	[sflag:s0] =	ssyncadd.s32 @!p0 s1  }
0x129: {  	[bflag:$0x3] =	sbarrier.arrive $0xFFFF  }
0x12a: {  	_ =	shalt  }

</sc_bundles>
